<compile_context>
chip_gen: v7x
topology: tpu7x:2x2x1
jax: 0.10.2.dev20260603
libtpu: 0.0.44.dev20260713+nightly
codegen_flags: <defaults>
</compile_context>

<pallas_src>
import functools

import jax
import jax.numpy as jnp
from jax import lax
from jax.experimental import pallas as pl
from jax.experimental.pallas import tpu as pltpu
from jax.experimental.pallas import tpu_sc as plsc

N = 10000
E = 320000
D = 128
ET = 16

NC = 2
NS = 16
NW = NC * NS
L = 16

CHUNK = 128
NBUF = 2
PER_W = 10240
EP = PER_W * NW
NCHUNK = PER_W // CHUNK


def _ab_body(x_ref, wa_ref, wb_ref, a_ref, b_ref):
    xb = x_ref[...]
    a_ref[...] = jnp.dot(xb, wa_ref[...], preferred_element_type=jnp.float32)
    b_ref[...] = jnp.dot(xb, wb_ref[...], preferred_element_type=jnp.float32)


def _c_body(emb_ref, wc_ref, b1_ref, c_ref):
    c_ref[...] = (
        jnp.dot(emb_ref[...], wc_ref[...], preferred_element_type=jnp.float32)
        + b1_ref[...]
    )


def _precompute_tables(x, emb, W1, b1):
    w1a = W1[0:D, :]
    w1b = W1[D:2 * D, :]
    w1c = W1[2 * D:, :]
    blk = 1000
    a, b = pl.pallas_call(
        _ab_body,
        grid=(N // blk,),
        in_specs=[
            pl.BlockSpec((blk, D), lambda i: (i, 0)),
            pl.BlockSpec((D, D), lambda i: (0, 0)),
            pl.BlockSpec((D, D), lambda i: (0, 0)),
        ],
        out_specs=[
            pl.BlockSpec((blk, D), lambda i: (i, 0)),
            pl.BlockSpec((blk, D), lambda i: (i, 0)),
        ],
        out_shape=[
            jax.ShapeDtypeStruct((N, D), jnp.float32),
            jax.ShapeDtypeStruct((N, D), jnp.float32),
        ],
    )(x, w1a, w1b)
    c = pl.pallas_call(
        _c_body,
        out_shape=jax.ShapeDtypeStruct((512, D), jnp.float32),
    )(emb, w1c, b1.reshape(1, D))
    return a, b, c


def _sc_edge_kernel(a_hbm, b_hbm, c_hbm, src_hbm, dst_hbm, et_hbm,
                    w2_hbm, b2_hbm, logits_hbm, scores_hbm,
                    sidx, didx, etr, buf_a, buf_b, c_v,
                    lring, sring, w2_v, b2_v, w2r, gsem, osem):
    wid = lax.axis_index("s") * NC + lax.axis_index("c")
    w_base = wid * PER_W

    pltpu.sync_copy(w2_hbm, w2_v)
    pltpu.sync_copy(b2_hbm, b2_v)
    pltpu.sync_copy(c_hbm, c_v)
    pltpu.sync_copy(src_hbm.at[pl.ds(w_base, PER_W)], sidx)
    pltpu.sync_copy(dst_hbm.at[pl.ds(w_base, PER_W)], didx)

    b2s = b2_v[...][0]
    lane = lax.broadcasted_iota(jnp.int32, (L,), 0)

    def w2r_body(t, carry):
        ko = t // L
        j = t - ko * L
        dl = jnp.bitwise_and(lane + j, L - 1)
        vals = plsc.load_gather(w2_v, [ko * L + dl])
        w2r[pl.ds(t * L, L)] = vals
        return carry

    lax.fori_loop(0, (D // L) * L, w2r_body, 0)

    H = CHUNK // 2

    def issue(ci, p):
        off = ci * CHUNK
        pltpu.async_copy(a_hbm.at[sidx.at[pl.ds(off, H)]],
                         buf_a.at[pl.ds(p * CHUNK, H)], gsem.at[p])
        pltpu.async_copy(a_hbm.at[sidx.at[pl.ds(off + H, H)]],
                         buf_a.at[pl.ds(p * CHUNK + H, H)], gsem.at[p])
        pltpu.async_copy(b_hbm.at[didx.at[pl.ds(off, H)]],
                         buf_b.at[pl.ds(p * CHUNK, H)], gsem.at[p])
        pltpu.async_copy(b_hbm.at[didx.at[pl.ds(off + H, H)]],
                         buf_b.at[pl.ds(p * CHUNK + H, H)], gsem.at[p])
        pltpu.async_copy(et_hbm.at[pl.ds(w_base + off, CHUNK)],
                         etr.at[pl.ds(p * CHUNK, CHUNK)], gsem.at[p])

    def drain(p):
        dummy = a_hbm.at[pl.ds(0, H)]
        pltpu.make_async_copy(dummy, buf_a.at[pl.ds(p * CHUNK, H)],
                              gsem.at[p]).wait()
        pltpu.make_async_copy(dummy, buf_a.at[pl.ds(p * CHUNK + H, H)],
                              gsem.at[p]).wait()
        pltpu.make_async_copy(dummy, buf_b.at[pl.ds(p * CHUNK, H)],
                              gsem.at[p]).wait()
        pltpu.make_async_copy(dummy, buf_b.at[pl.ds(p * CHUNK + H, H)],
                              gsem.at[p]).wait()
        pltpu.make_async_copy(et_hbm.at[pl.ds(0, CHUNK)],
                              etr.at[pl.ds(p * CHUNK, CHUNK)],
                              gsem.at[p]).wait()

    def out_issue(ci, p):
        base = w_base + ci * CHUNK
        dsl = pl.ds(p * CHUNK, CHUNK)
        pltpu.async_copy(lring.at[dsl], logits_hbm.at[pl.ds(base, CHUNK)],
                         osem.at[p])
        pltpu.async_copy(sring.at[dsl], scores_hbm.at[pl.ds(base, CHUNK)],
                         osem.at[p])

    def out_drain(p):
        dsl = pl.ds(p * CHUNK, CHUNK)
        pltpu.make_async_copy(lring.at[dsl],
                              logits_hbm.at[pl.ds(w_base, CHUNK)],
                              osem.at[p]).wait()
        pltpu.make_async_copy(sring.at[dsl],
                              scores_hbm.at[pl.ds(w_base, CHUNK)],
                              osem.at[p]).wait()

    for w in range(NBUF - 1):
        issue(w, w)

    def chunk_body(ci, carry):
        p = lax.rem(ci, NBUF)

        @pl.when(ci + NBUF - 1 < NCHUNK)
        def _():
            issue(ci + NBUF - 1, lax.rem(ci + NBUF - 1, NBUF))

        drain(p)

        @pl.when(ci >= NBUF)
        def _():
            out_drain(p)

        ebase = p * CHUNK

        def group_body(g, carry2):
            rows = ebase + g * L + lane
            etv = etr[pl.ds(ebase + g * L, L)]

            def k_outer(ko, acc):
                fb = ko * L
                for j in range(L):
                    dl = jnp.bitwise_and(lane + j, L - 1)
                    fvec = fb + dl
                    va = plsc.load_gather(buf_a, [rows, fvec])
                    vb = plsc.load_gather(buf_b, [rows, fvec])
                    wcol = (fb // 2) + jnp.right_shift(dl, 1)
                    cw = plsc.load_gather(c_v, [etv * (D // 2) + wcol])
                    clo, chi = plsc.unpack(
                        plsc.bitcast(cw, jnp.bfloat16),
                        format=plsc.PackFormat.INTERLEAVED)
                    odd = jnp.bitwise_and(lane + j, 1) == 1
                    vc = jnp.where(odd, chi, clo)
                    w2vec = w2r[pl.ds((fb + j) * L, L)]
                    acc = acc + jnp.maximum(va + vb + vc, 0.0) * w2vec
                return acc

            logv = lax.fori_loop(0, D // L, k_outer,
                                 jnp.full((L,), b2s, jnp.float32))
            obase = ebase + g * L
            lring[pl.ds(obase, L)] = logv
            sring[pl.ds(obase, L)] = 1.0 / (1.0 + jnp.exp(-logv))
            return carry2

        lax.fori_loop(0, CHUNK // L, group_body, 0)
        out_issue(ci, p)
        return carry

    lax.fori_loop(0, NCHUNK, chunk_body, 0)
    for w in range(NBUF):
        out_drain((NCHUNK - NBUF + w) % NBUF)


@functools.partial(
    pl.kernel,
    out_type=[
        jax.ShapeDtypeStruct((EP,), jnp.float32),
        jax.ShapeDtypeStruct((EP,), jnp.float32),
    ],
    mesh=plsc.VectorSubcoreMesh(core_axis_name="c", subcore_axis_name="s"),
    compiler_params=pltpu.CompilerParams(needs_layout_passes=False),
    scratch_types=[
        pltpu.VMEM((PER_W,), jnp.int32),
        pltpu.VMEM((PER_W,), jnp.int32),
        pltpu.VMEM((NBUF * CHUNK,), jnp.int32),
        pltpu.VMEM((NBUF * CHUNK, D), jnp.float32),
        pltpu.VMEM((NBUF * CHUNK, D), jnp.float32),
        pltpu.VMEM((512 * D // 2,), jnp.int32),
        pltpu.VMEM((NBUF * CHUNK,), jnp.float32),
        pltpu.VMEM((NBUF * CHUNK,), jnp.float32),
        pltpu.VMEM((D,), jnp.float32),
        pltpu.VMEM((L,), jnp.float32),
        pltpu.VMEM((D * L,), jnp.float32),
        pltpu.SemaphoreType.DMA((NBUF,)),
        pltpu.SemaphoreType.DMA((NBUF,)),
    ],
)
def _sc_edges(a, b, c, src, dst, et, w2, b2, logits, scores, *scratch):
    _sc_edge_kernel(a, b, c, src, dst, et, w2, b2, logits, scores, *scratch)


def kernel(x, edge_index, edge_type, emb, W1, b1, W2, b2):
    a, b, c = _precompute_tables(x, emb, W1, b1)
    c = lax.bitcast_convert_type(
        c.astype(jnp.bfloat16).reshape(512, D // 2, 2), jnp.int32).reshape(-1)

    pad = EP - E
    src = jnp.concatenate([edge_index[0], jnp.zeros((pad,), jnp.int32)])
    dst = jnp.concatenate([edge_index[1], jnp.zeros((pad,), jnp.int32)])
    et = jnp.concatenate([edge_type, jnp.zeros((pad,), jnp.int32)])

    w2 = W2.reshape(D)
    b2v = jnp.broadcast_to(b2.reshape(1), (L,)).astype(jnp.float32)

    logits_p, scores_p = _sc_edges(a, b, c, src, dst, et, w2, b2v)
    return logits_p[:E], scores_p[:E]

# --- scband reference (transcript-rebuilt; emitter-appended) ---
"""Pipeline reference for scband-pgexplainer-73581379715388 (READ-ONLY COPY).

The authoritative reference and input builder live on the scoring server;
editing this copy changes nothing except your own understanding.
"""

import jax, jax.numpy as jnp
import numpy as np

N = 10000
E = 320000
D = 128          # hidden_dim
ET = 16          # edge_type_emb_dim
NUM_EDGE_TYPES = 512


def setup_inputs(seed: int = 0) -> dict:
    key = jax.random.key(seed)
    ks = jax.random.split(key, 8)
    x = jax.random.normal(ks[0], (N, D), dtype=jnp.float32)
    edge_index = jax.random.randint(ks[1], (2, E), 0, N)
    edge_type = jax.random.randint(ks[2], (E,), 0, NUM_EDGE_TYPES)
    # learned parameters (sized per init_kwargs)
    emb = jax.random.normal(ks[3], (NUM_EDGE_TYPES, ET), dtype=jnp.float32)
    fan_in1 = 2 * D + ET
    W1 = jax.random.normal(ks[4], (fan_in1, D), dtype=jnp.float32) * (1.0 / np.sqrt(fan_in1))
    b1 = jnp.zeros((D,), dtype=jnp.float32)
    W2 = jax.random.normal(ks[5], (D, 1), dtype=jnp.float32) * (1.0 / np.sqrt(D))
    b2 = jnp.zeros((1,), dtype=jnp.float32)
    return {"x": x, "edge_index": edge_index, "edge_type": edge_type,
            "emb": emb, "W1": W1, "b1": b1, "W2": W2, "b2": b2}


def reference(x, edge_index, edge_type, emb, W1, b1, W2, b2):
    # PGExplainer.edge_logits: gather src/dst node embeddings + edge-type embedding,
    # concat, 2-layer MLP -> per-edge logit, then deterministic sigmoid score
    # (as in score_edges).
    src = edge_index[0]
    dst = edge_index[1]
    h = jnp.concatenate([jnp.take(x, src, axis=0),
                         jnp.take(x, dst, axis=0),
                         jnp.take(emb, edge_type, axis=0)], axis=-1)
    h = jax.nn.relu(h @ W1 + b1)
    edge_logits = (h @ W2 + b2).reshape(-1)
    edge_score = jax.nn.sigmoid(edge_logits)
    return (edge_logits, edge_score)

if __name__ == "__main__":
    import jax
    _d = setup_inputs()
    print(jax.jit(kernel)(*tuple(_d.values())))

</pallas_src>

<mosaic_0001>
#map = affine_map<(d0, d1) -> (0, 0)>
#map1 = affine_map<(d0, d1) -> (0)>
module attributes {stable_mosaic.version = 14 : i64} {
  func.func @_sc_edges(%arg0: i32, %arg1: i32, %arg2: memref<10000x128xf32, #tpu.memory_space<hbm>>, %arg3: memref<10000x128xf32, #tpu.memory_space<hbm>>, %arg4: memref<32768xi32, #tpu.memory_space<hbm>>, %arg5: memref<327680xi32, #tpu.memory_space<hbm>>, %arg6: memref<327680xi32, #tpu.memory_space<hbm>>, %arg7: memref<327680xi32, #tpu.memory_space<hbm>>, %arg8: memref<128xf32, #tpu.memory_space<hbm>>, %arg9: memref<16xf32, #tpu.memory_space<hbm>>, %arg10: memref<327680xf32, #tpu.memory_space<hbm>>, %arg11: memref<327680xf32, #tpu.memory_space<hbm>>, %arg12: memref<10240xi32, #tpu.memory_space<vmem>>, %arg13: memref<10240xi32, #tpu.memory_space<vmem>>, %arg14: memref<256xi32, #tpu.memory_space<vmem>>, %arg15: memref<256x128xf32, #tpu.memory_space<vmem>>, %arg16: memref<256x128xf32, #tpu.memory_space<vmem>>, %arg17: memref<32768xi32, #tpu.memory_space<vmem>>, %arg18: memref<256xf32, #tpu.memory_space<vmem>>, %arg19: memref<256xf32, #tpu.memory_space<vmem>>, %arg20: memref<128xf32, #tpu.memory_space<vmem>>, %arg21: memref<16xf32, #tpu.memory_space<vmem>>, %arg22: memref<2048xf32, #tpu.memory_space<vmem>>, %arg23: memref<2x!tpu.dma_semaphore, #tpu.memory_space<semaphore_mem>>, %arg24: memref<2x!tpu.dma_semaphore, #tpu.memory_space<semaphore_mem>>) attributes {dimension_semantics = [#tpu.dimension_semantics<core_parallel>, #tpu.dimension_semantics<subcore_parallel>], iteration_bounds = array<i64: 2, 16>, scalar_prefetch = 0 : i64, scratch_operands = 13 : i64, tpu.core_type = #tpu.core_type<sc_vector_subcore>, window_params = [{transform_indices = #map}, {transform_indices = #map}, {transform_indices = #map1}, {transform_indices = #map1}, {transform_indices = #map1}, {transform_indices = #map1}, {transform_indices = #map1}, {transform_indices = #map1}, {transform_indices = #map1}, {transform_indices = #map1}]} {
    %mul3A = arith.constant 2 : i32
    %mul3A_0 = arith.muli %arg1, %mul3A : i32
    %add3A = arith.addi %mul3A_0, %arg0 : i32
    %mul3A_1 = arith.constant 10240 : i32
    %mul3A_2 = arith.muli %add3A, %mul3A_1 : i32
    "tpu.region"() ({
      %run_scoped3A = tpu.sem_alloc : memref<!tpu.dma_semaphore, #tpu.memory_space<semaphore_mem>>
      tpu.enqueue_dma source(%arg8 : memref<128xf32, #tpu.memory_space<hbm>>) target(%arg20 : memref<128xf32, #tpu.memory_space<vmem>>) target_semaphore(%run_scoped3A : memref<!tpu.dma_semaphore, #tpu.memory_space<semaphore_mem>>)
      tpu.wait_dma2 semaphore(%run_scoped3A : memref<!tpu.dma_semaphore, #tpu.memory_space<semaphore_mem>>) src(%arg8 : memref<128xf32, #tpu.memory_space<hbm>>) dst(%arg20 : memref<128xf32, #tpu.memory_space<vmem>>)
      tpu.yield
    }) : () -> ()
    "tpu.region"() ({
      %run_scoped3A = tpu.sem_alloc : memref<!tpu.dma_semaphore, #tpu.memory_space<semaphore_mem>>
      tpu.enqueue_dma source(%arg9 : memref<16xf32, #tpu.memory_space<hbm>>) target(%arg21 : memref<16xf32, #tpu.memory_space<vmem>>) target_semaphore(%run_scoped3A : memref<!tpu.dma_semaphore, #tpu.memory_space<semaphore_mem>>)
      tpu.wait_dma2 semaphore(%run_scoped3A : memref<!tpu.dma_semaphore, #tpu.memory_space<semaphore_mem>>) src(%arg9 : memref<16xf32, #tpu.memory_space<hbm>>) dst(%arg21 : memref<16xf32, #tpu.memory_space<vmem>>)
      tpu.yield
    }) : () -> ()
    "tpu.region"() ({
      %run_scoped3A = tpu.sem_alloc : memref<!tpu.dma_semaphore, #tpu.memory_space<semaphore_mem>>
      tpu.enqueue_dma source(%arg4 : memref<32768xi32, #tpu.memory_space<hbm>>) target(%arg17 : memref<32768xi32, #tpu.memory_space<vmem>>) target_semaphore(%run_scoped3A : memref<!tpu.dma_semaphore, #tpu.memory_space<semaphore_mem>>)
      tpu.wait_dma2 semaphore(%run_scoped3A : memref<!tpu.dma_semaphore, #tpu.memory_space<semaphore_mem>>) src(%arg4 : memref<32768xi32, #tpu.memory_space<hbm>>) dst(%arg17 : memref<32768xi32, #tpu.memory_space<vmem>>)
      tpu.yield
    }) : () -> ()
    "tpu.region"() ({
      %run_scoped3A = tpu.sem_alloc : memref<!tpu.dma_semaphore, #tpu.memory_space<semaphore_mem>>
      %dma_start3A_104 = tpu.memref_slice %arg5[%mul3A_2] : memref<327680xi32, #tpu.memory_space<hbm>> -> memref<10240xi32, #tpu.memory_space<hbm>>
      %dma_start3A_105 = tpu.memref_slice %arg5[%mul3A_2] : memref<327680xi32, #tpu.memory_space<hbm>> -> memref<10240xi32, #tpu.memory_space<hbm>>
      tpu.enqueue_dma source(%dma_start3A_105 : memref<10240xi32, #tpu.memory_space<hbm>>) target(%arg12 : memref<10240xi32, #tpu.memory_space<vmem>>) target_semaphore(%run_scoped3A : memref<!tpu.dma_semaphore, #tpu.memory_space<semaphore_mem>>)
      %dma_wait3A_106 = tpu.memref_slice %arg5[%mul3A_2] : memref<327680xi32, #tpu.memory_space<hbm>> -> memref<10240xi32, #tpu.memory_space<hbm>>
      %dma_wait3A_107 = tpu.memref_slice %arg5[%mul3A_2] : memref<327680xi32, #tpu.memory_space<hbm>> -> memref<10240xi32, #tpu.memory_space<hbm>>
      tpu.wait_dma2 semaphore(%run_scoped3A : memref<!tpu.dma_semaphore, #tpu.memory_space<semaphore_mem>>) src(%dma_wait3A_107 : memref<10240xi32, #tpu.memory_space<hbm>>) dst(%arg12 : memref<10240xi32, #tpu.memory_space<vmem>>)
      tpu.yield
    }) : () -> ()
    "tpu.region"() ({
      %run_scoped3A = tpu.sem_alloc : memref<!tpu.dma_semaphore, #tpu.memory_space<semaphore_mem>>
      %dma_start3A_104 = tpu.memref_slice %arg6[%mul3A_2] : memref<327680xi32, #tpu.memory_space<hbm>> -> memref<10240xi32, #tpu.memory_space<hbm>>
      %dma_start3A_105 = tpu.memref_slice %arg6[%mul3A_2] : memref<327680xi32, #tpu.memory_space<hbm>> -> memref<10240xi32, #tpu.memory_space<hbm>>
      tpu.enqueue_dma source(%dma_start3A_105 : memref<10240xi32, #tpu.memory_space<hbm>>) target(%arg13 : memref<10240xi32, #tpu.memory_space<vmem>>) target_semaphore(%run_scoped3A : memref<!tpu.dma_semaphore, #tpu.memory_space<semaphore_mem>>)
      %dma_wait3A_106 = tpu.memref_slice %arg6[%mul3A_2] : memref<327680xi32, #tpu.memory_space<hbm>> -> memref<10240xi32, #tpu.memory_space<hbm>>
      %dma_wait3A_107 = tpu.memref_slice %arg6[%mul3A_2] : memref<327680xi32, #tpu.memory_space<hbm>> -> memref<10240xi32, #tpu.memory_space<hbm>>
      tpu.wait_dma2 semaphore(%run_scoped3A : memref<!tpu.dma_semaphore, #tpu.memory_space<semaphore_mem>>) src(%dma_wait3A_107 : memref<10240xi32, #tpu.memory_space<hbm>>) dst(%arg13 : memref<10240xi32, #tpu.memory_space<vmem>>)
      tpu.yield
    }) : () -> ()
    %get3A = arith.constant 0 : index
    %get3A_3 = tpu.vector_load %arg21[%get3A] {strides = array<i32>} : memref<16xf32, #tpu.memory_space<vmem>>, vector<16xf32>,
    %slice3A = vector.extract_strided_slice %get3A_3 {offsets = [0], sizes = [1], strides = [1]} : vector<16xf32> to vector<1xf32>
    %squeeze3A = vector.extract %slice3A[0] : f32 from vector<1xf32>
    %iota3A = tpu.iota {dimensions = array<i32: 0>} : vector<16xi32>
    %scan3A = arith.constant 0 : i32
    %scan3A_4 = arith.constant 0 : i32
    %scan3A_5 = arith.constant 128 : i32
    %scan3A_6 = arith.addi %scan3A_4, %scan3A_5 : i32
    %scan3A_7 = arith.constant 1 : i32
    scf.for %scan3A_104 = %scan3A_4 to %scan3A_6 step %scan3A_7  : i32 {
      %jit3A = arith.constant 16 : i32
      %div3A = arith.divsi %scan3A_104, %jit3A : i32
      %sign3A = arith.constant 0 : i32
      %sign3A_105 = arith.cmpi sgt, %scan3A_104, %sign3A : i32
      %sign3A_106 = arith.extui %sign3A_105 : i1 to i32
      %sign3A_107 = arith.constant 0 : i32
      %sign3A_108 = arith.cmpi slt, %scan3A_104, %sign3A_107 : i32
      %sign3A_109 = arith.extui %sign3A_108 : i1 to i32
      %sign3A_110 = arith.subi %sign3A_106, %sign3A_109 : i32
      %sign3A_111 = arith.constant 0 : i32
      %sign3A_112 = arith.cmpi sgt, %jit3A, %sign3A_111 : i32
      %sign3A_113 = arith.extui %sign3A_112 : i1 to i32
      %sign3A_114 = arith.constant 0 : i32
      %sign3A_115 = arith.cmpi slt, %jit3A, %sign3A_114 : i32
      %sign3A_116 = arith.extui %sign3A_115 : i1 to i32
      %sign3A_117 = arith.subi %sign3A_113, %sign3A_116 : i32
      %ne3A = arith.cmpi ne, %sign3A_110, %sign3A_117 : i32
      %rem3A = arith.remsi %scan3A_104, %jit3A : i32
      %ne3A_118 = arith.constant 0 : i32
      %ne3A_119 = arith.cmpi ne, %rem3A, %ne3A_118 : i32
      %and3A = arith.andi %ne3A, %ne3A_119 : i1
      %sub3A = arith.constant 1 : i32
      %sub3A_120 = arith.subi %div3A, %sub3A : i32
      %select_n3A = arith.select %and3A, %sub3A_120, %div3A : i32
      %mul3A_121 = arith.constant 16 : i32
      %mul3A_122 = arith.muli %select_n3A, %mul3A_121 : i32
      %sub3A_123 = arith.subi %scan3A_104, %mul3A_122 : i32
      %add3A_124 = vector.broadcast %sub3A_123 : i32 to vector<16xi32>
      %add3A_125 = arith.addi %iota3A, %add3A_124 : vector<16xi32>
      %and3A_126 = arith.constant 15 : i32
      %and3A_127 = vector.broadcast %and3A_126 : i32 to vector<16xi32>
      %and3A_128 = arith.andi %add3A_125, %and3A_127 : vector<16xi32>
      %mul3A_129 = arith.constant 16 : i32
      %mul3A_130 = arith.muli %select_n3A, %mul3A_129 : i32
      %add3A_131 = vector.broadcast %mul3A_130 : i32 to vector<16xi32>
      %add3A_132 = arith.addi %add3A_131, %and3A_128 : vector<16xi32>
      %gather3A = tpu.vector_load_idx %arg20[%add3A_132] : memref<128xf32, #tpu.memory_space<vmem>>[vector<16xi32>], vector<16xf32>,
      %mul3A_133 = arith.constant 16 : i32
      %mul3A_134 = arith.muli %scan3A_104, %mul3A_133 : i32
      %swap3A = arith.index_cast %mul3A_134 : i32 to index
      %swap3A_135 = tpu.vector_load %arg22[%swap3A] {strides = array<i32>} : memref<2048xf32, #tpu.memory_space<vmem>>, vector<16xf32>,
      tpu.vector_store %arg22[%swap3A], %gather3A {strides = array<i32>} : memref<2048xf32, #tpu.memory_space<vmem>>, vector<16xf32>,
    }
    %scan3A_8 = arith.constant 128 : i32
    %dma_start3A = arith.constant 0 : i32
    %dma_start3A_9 = arith.constant 0 : i32
    %dma_start3A_10 = arith.constant 0 : i32
    %dma_start3A_11 = tpu.memref_slice %arg15[%dma_start3A_9, %dma_start3A_10] : memref<256x128xf32, #tpu.memory_space<vmem>> -> memref<64x128xf32, #tpu.memory_space<vmem>>
    %dma_start3A_12 = arith.constant 0 : i32
    %dma_start3A_13 = tpu.memref_slice %arg12[%dma_start3A_12] : memref<10240xi32, #tpu.memory_space<vmem>> -> memref<64xi32, #tpu.memory_space<vmem>>
    %dma_start3A_14 = arith.constant 0 : i32
    %dma_start3A_15 = arith.constant 0 : i32
    %dma_start3A_16 = tpu.memref_slice %arg2[%dma_start3A_14, %dma_start3A_15] : memref<10000x128xf32, #tpu.memory_space<hbm>> -> memref<10000x128xf32, #tpu.memory_space<hbm>>
    %dma_start3A_17 = tpu.memref_slice %arg23[%dma_start3A] : memref<2x!tpu.dma_semaphore, #tpu.memory_space<semaphore_mem>> -> memref<1x!tpu.dma_semaphore, #tpu.memory_space<semaphore_mem>>
    %dma_start3A_18 = tpu.memref_squeeze %dma_start3A_17 : memref<1x!tpu.dma_semaphore, #tpu.memory_space<semaphore_mem>> -> memref<!tpu.dma_semaphore, #tpu.memory_space<semaphore_mem>>
    tpu.enqueue_indirect_dma source(%dma_start3A_16 : memref<10000x128xf32, #tpu.memory_space<hbm>>) target(%dma_start3A_11 : memref<64x128xf32, #tpu.memory_space<vmem>>) offsets(%dma_start3A_13 : memref<64xi32, #tpu.memory_space<vmem>>) semaphore(%dma_start3A_18 : memref<!tpu.dma_semaphore, #tpu.memory_space<semaphore_mem>>)
    %dma_start3A_19 = arith.constant 0 : i32
    %dma_start3A_20 = arith.constant 64 : i32
    %dma_start3A_21 = arith.constant 0 : i32
    %dma_start3A_22 = tpu.memref_slice %arg15[%dma_start3A_20, %dma_start3A_21] : memref<256x128xf32, #tpu.memory_space<vmem>> -> memref<64x128xf32, #tpu.memory_space<vmem>>
    %dma_start3A_23 = arith.constant 64 : i32
    %dma_start3A_24 = tpu.memref_slice %arg12[%dma_start3A_23] : memref<10240xi32, #tpu.memory_space<vmem>> -> memref<64xi32, #tpu.memory_space<vmem>>
    %dma_start3A_25 = arith.constant 0 : i32
    %dma_start3A_26 = arith.constant 0 : i32
    %dma_start3A_27 = tpu.memref_slice %arg2[%dma_start3A_25, %dma_start3A_26] : memref<10000x128xf32, #tpu.memory_space<hbm>> -> memref<10000x128xf32, #tpu.memory_space<hbm>>
    %dma_start3A_28 = tpu.memref_slice %arg23[%dma_start3A_19] : memref<2x!tpu.dma_semaphore, #tpu.memory_space<semaphore_mem>> -> memref<1x!tpu.dma_semaphore, #tpu.memory_space<semaphore_mem>>
    %dma_start3A_29 = tpu.memref_squeeze %dma_start3A_28 : memref<1x!tpu.dma_semaphore, #tpu.memory_space<semaphore_mem>> -> memref<!tpu.dma_semaphore, #tpu.memory_space<semaphore_mem>>
    tpu.enqueue_indirect_dma source(%dma_start3A_27 : memref<10000x128xf32, #tpu.memory_space<hbm>>) target(%dma_start3A_22 : memref<64x128xf32, #tpu.memory_space<vmem>>) offsets(%dma_start3A_24 : memref<64xi32, #tpu.memory_space<vmem>>) semaphore(%dma_start3A_29 : memref<!tpu.dma_semaphore, #tpu.memory_space<semaphore_mem>>)
    %dma_start3A_30 = arith.constant 0 : i32
    %dma_start3A_31 = arith.constant 0 : i32
    %dma_start3A_32 = arith.constant 0 : i32
    %dma_start3A_33 = tpu.memref_slice %arg16[%dma_start3A_31, %dma_start3A_32] : memref<256x128xf32, #tpu.memory_space<vmem>> -> memref<64x128xf32, #tpu.memory_space<vmem>>
    %dma_start3A_34 = arith.constant 0 : i32
    %dma_start3A_35 = tpu.memref_slice %arg13[%dma_start3A_34] : memref<10240xi32, #tpu.memory_space<vmem>> -> memref<64xi32, #tpu.memory_space<vmem>>
    %dma_start3A_36 = arith.constant 0 : i32
    %dma_start3A_37 = arith.constant 0 : i32
    %dma_start3A_38 = tpu.memref_slice %arg3[%dma_start3A_36, %dma_start3A_37] : memref<10000x128xf32, #tpu.memory_space<hbm>> -> memref<10000x128xf32, #tpu.memory_space<hbm>>
    %dma_start3A_39 = tpu.memref_slice %arg23[%dma_start3A_30] : memref<2x!tpu.dma_semaphore, #tpu.memory_space<semaphore_mem>> -> memref<1x!tpu.dma_semaphore, #tpu.memory_space<semaphore_mem>>
    %dma_start3A_40 = tpu.memref_squeeze %dma_start3A_39 : memref<1x!tpu.dma_semaphore, #tpu.memory_space<semaphore_mem>> -> memref<!tpu.dma_semaphore, #tpu.memory_space<semaphore_mem>>
    tpu.enqueue_indirect_dma source(%dma_start3A_38 : memref<10000x128xf32, #tpu.memory_space<hbm>>) target(%dma_start3A_33 : memref<64x128xf32, #tpu.memory_space<vmem>>) offsets(%dma_start3A_35 : memref<64xi32, #tpu.memory_space<vmem>>) semaphore(%dma_start3A_40 : memref<!tpu.dma_semaphore, #tpu.memory_space<semaphore_mem>>)
    %dma_start3A_41 = arith.constant 0 : i32
    %dma_start3A_42 = arith.constant 64 : i32
    %dma_start3A_43 = arith.constant 0 : i32
    %dma_start3A_44 = tpu.memref_slice %arg16[%dma_start3A_42, %dma_start3A_43] : memref<256x128xf32, #tpu.memory_space<vmem>> -> memref<64x128xf32, #tpu.memory_space<vmem>>
    %dma_start3A_45 = arith.constant 64 : i32
    %dma_start3A_46 = tpu.memref_slice %arg13[%dma_start3A_45] : memref<10240xi32, #tpu.memory_space<vmem>> -> memref<64xi32, #tpu.memory_space<vmem>>
    %dma_start3A_47 = arith.constant 0 : i32
    %dma_start3A_48 = arith.constant 0 : i32
    %dma_start3A_49 = tpu.memref_slice %arg3[%dma_start3A_47, %dma_start3A_48] : memref<10000x128xf32, #tpu.memory_space<hbm>> -> memref<10000x128xf32, #tpu.memory_space<hbm>>
    %dma_start3A_50 = tpu.memref_slice %arg23[%dma_start3A_41] : memref<2x!tpu.dma_semaphore, #tpu.memory_space<semaphore_mem>> -> memref<1x!tpu.dma_semaphore, #tpu.memory_space<semaphore_mem>>
    %dma_start3A_51 = tpu.memref_squeeze %dma_start3A_50 : memref<1x!tpu.dma_semaphore, #tpu.memory_space<semaphore_mem>> -> memref<!tpu.dma_semaphore, #tpu.memory_space<semaphore_mem>>
    tpu.enqueue_indirect_dma source(%dma_start3A_49 : memref<10000x128xf32, #tpu.memory_space<hbm>>) target(%dma_start3A_44 : memref<64x128xf32, #tpu.memory_space<vmem>>) offsets(%dma_start3A_46 : memref<64xi32, #tpu.memory_space<vmem>>) semaphore(%dma_start3A_51 : memref<!tpu.dma_semaphore, #tpu.memory_space<semaphore_mem>>)
    %add3A_52 = arith.constant 0 : i32
    %add3A_53 = arith.addi %mul3A_2, %add3A_52 : i32
    %dma_start3A_54 = arith.constant 0 : i32
    %dma_start3A_55 = arith.constant 0 : i32
    %dma_start3A_56 = tpu.memref_slice %arg14[%dma_start3A_55] : memref<256xi32, #tpu.memory_space<vmem>> -> memref<128xi32, #tpu.memory_space<vmem>>
    %dma_start3A_57 = tpu.memref_slice %arg7[%add3A_53] : memref<327680xi32, #tpu.memory_space<hbm>> -> memref<128xi32, #tpu.memory_space<hbm>>
    %dma_start3A_58 = tpu.memref_slice %arg23[%dma_start3A_54] : memref<2x!tpu.dma_semaphore, #tpu.memory_space<semaphore_mem>> -> memref<1x!tpu.dma_semaphore, #tpu.memory_space<semaphore_mem>>
    %dma_start3A_59 = tpu.memref_squeeze %dma_start3A_58 : memref<1x!tpu.dma_semaphore, #tpu.memory_space<semaphore_mem>> -> memref<!tpu.dma_semaphore, #tpu.memory_space<semaphore_mem>>
    %dma_start3A_60 = arith.constant 0 : i32
    %dma_start3A_61 = tpu.memref_slice %arg14[%dma_start3A_60] : memref<256xi32, #tpu.memory_space<vmem>> -> memref<128xi32, #tpu.memory_space<vmem>>
    %dma_start3A_62 = tpu.memref_slice %arg7[%add3A_53] : memref<327680xi32, #tpu.memory_space<hbm>> -> memref<128xi32, #tpu.memory_space<hbm>>
    tpu.enqueue_dma source(%dma_start3A_62 : memref<128xi32, #tpu.memory_space<hbm>>) target(%dma_start3A_61 : memref<128xi32, #tpu.memory_space<vmem>>) target_semaphore(%dma_start3A_59 : memref<!tpu.dma_semaphore, #tpu.memory_space<semaphore_mem>>)
    %scan3A_63 = arith.constant 0 : i32
    %scan3A_64 = arith.constant 0 : i32
    %scan3A_65 = arith.constant 80 : i32
    %scan3A_66 = arith.addi %scan3A_64, %scan3A_65 : i32
    %scan3A_67 = arith.constant 1 : i32
    scf.for %scan3A_104 = %scan3A_64 to %scan3A_66 step %scan3A_67  : i32 {
      %rem3A = arith.constant 2 : i32
      %rem3A_105 = arith.remsi %scan3A_104, %rem3A : i32
      %add3A_106 = arith.constant 2 : i32
      %add3A_107 = arith.addi %scan3A_104, %add3A_106 : i32
      %sub3A = arith.constant 1 : i32
      %sub3A_108 = arith.subi %add3A_107, %sub3A : i32
      %lt3A = arith.constant 80 : i32
      %lt3A_109 = arith.cmpi slt, %sub3A_108, %lt3A : i32
      %convert_element_type3A = arith.extui %lt3A_109 : i1 to i32
      %cond3A = arith.constant 0 : i32
      %cond3A_110 = arith.cmpi ne, %convert_element_type3A, %cond3A : i32
      scf.if %cond3A_110 {
        %add3A_210 = arith.constant 2 : i32
        %add3A_211 = arith.addi %scan3A_104, %add3A_210 : i32
        %sub3A_212 = arith.constant 1 : i32
        %sub3A_213 = arith.subi %add3A_211, %sub3A_212 : i32
        %add3A_214 = arith.constant 2 : i32
        %add3A_215 = arith.addi %scan3A_104, %add3A_214 : i32
        %sub3A_216 = arith.constant 1 : i32
        %sub3A_217 = arith.subi %add3A_215, %sub3A_216 : i32
        %rem3A_218 = arith.constant 2 : i32
        %rem3A_219 = arith.remsi %sub3A_217, %rem3A_218 : i32
        %mul3A_220 = arith.constant 128 : i32
        %mul3A_221 = arith.muli %sub3A_213, %mul3A_220 : i32
        %mul3A_222 = arith.constant 128 : i32
        %mul3A_223 = arith.muli %rem3A_219, %mul3A_222 : i32
        %dma_start3A_224 = arith.constant 0 : i32
        %dma_start3A_225 = tpu.memref_slice %arg15[%mul3A_223, %dma_start3A_224] : memref<256x128xf32, #tpu.memory_space<vmem>> -> memref<64x128xf32, #tpu.memory_space<vmem>>
        %dma_start3A_226 = tpu.memref_slice %arg12[%mul3A_221] : memref<10240xi32, #tpu.memory_space<vmem>> -> memref<64xi32, #tpu.memory_space<vmem>>
        %dma_start3A_227 = arith.constant 0 : i32
        %dma_start3A_228 = arith.constant 0 : i32
        %dma_start3A_229 = tpu.memref_slice %arg2[%dma_start3A_227, %dma_start3A_228] : memref<10000x128xf32, #tpu.memory_space<hbm>> -> memref<10000x128xf32, #tpu.memory_space<hbm>>
        %dma_start3A_230 = tpu.memref_slice %arg23[%rem3A_219] : memref<2x!tpu.dma_semaphore, #tpu.memory_space<semaphore_mem>> -> memref<1x!tpu.dma_semaphore, #tpu.memory_space<semaphore_mem>>
        %dma_start3A_231 = tpu.memref_squeeze %dma_start3A_230 : memref<1x!tpu.dma_semaphore, #tpu.memory_space<semaphore_mem>> -> memref<!tpu.dma_semaphore, #tpu.memory_space<semaphore_mem>>
        tpu.enqueue_indirect_dma source(%dma_start3A_229 : memref<10000x128xf32, #tpu.memory_space<hbm>>) target(%dma_start3A_225 : memref<64x128xf32, #tpu.memory_space<vmem>>) offsets(%dma_start3A_226 : memref<64xi32, #tpu.memory_space<vmem>>) semaphore(%dma_start3A_231 : memref<!tpu.dma_semaphore, #tpu.memory_space<semaphore_mem>>)
        %add3A_232 = arith.constant 64 : i32
        %add3A_233 = arith.addi %mul3A_221, %add3A_232 : i32
        %mul3A_234 = arith.constant 128 : i32
        %mul3A_235 = arith.muli %rem3A_219, %mul3A_234 : i32
        %add3A_236 = arith.constant 64 : i32
        %add3A_237 = arith.addi %mul3A_235, %add3A_236 : i32
        %dma_start3A_238 = arith.constant 0 : i32
        %dma_start3A_239 = tpu.memref_slice %arg15[%add3A_237, %dma_start3A_238] : memref<256x128xf32, #tpu.memory_space<vmem>> -> memref<64x128xf32, #tpu.memory_space<vmem>>
        %dma_start3A_240 = tpu.memref_slice %arg12[%add3A_233] : memref<10240xi32, #tpu.memory_space<vmem>> -> memref<64xi32, #tpu.memory_space<vmem>>
        %dma_start3A_241 = arith.constant 0 : i32
        %dma_start3A_242 = arith.constant 0 : i32
        %dma_start3A_243 = tpu.memref_slice %arg2[%dma_start3A_241, %dma_start3A_242] : memref<10000x128xf32, #tpu.memory_space<hbm>> -> memref<10000x128xf32, #tpu.memory_space<hbm>>
        %dma_start3A_244 = tpu.memref_slice %arg23[%rem3A_219] : memref<2x!tpu.dma_semaphore, #tpu.memory_space<semaphore_mem>> -> memref<1x!tpu.dma_semaphore, #tpu.memory_space<semaphore_mem>>
        %dma_start3A_245 = tpu.memref_squeeze %dma_start3A_244 : memref<1x!tpu.dma_semaphore, #tpu.memory_space<semaphore_mem>> -> memref<!tpu.dma_semaphore, #tpu.memory_space<semaphore_mem>>
        tpu.enqueue_indirect_dma source(%dma_start3A_243 : memref<10000x128xf32, #tpu.memory_space<hbm>>) target(%dma_start3A_239 : memref<64x128xf32, #tpu.memory_space<vmem>>) offsets(%dma_start3A_240 : memref<64xi32, #tpu.memory_space<vmem>>) semaphore(%dma_start3A_245 : memref<!tpu.dma_semaphore, #tpu.memory_space<semaphore_mem>>)
        %mul3A_246 = arith.constant 128 : i32
        %mul3A_247 = arith.muli %rem3A_219, %mul3A_246 : i32
        %dma_start3A_248 = arith.constant 0 : i32
        %dma_start3A_249 = tpu.memref_slice %arg16[%mul3A_247, %dma_start3A_248] : memref<256x128xf32, #tpu.memory_space<vmem>> -> memref<64x128xf32, #tpu.memory_space<vmem>>
        %dma_start3A_250 = tpu.memref_slice %arg13[%mul3A_221] : memref<10240xi32, #tpu.memory_space<vmem>> -> memref<64xi32, #tpu.memory_space<vmem>>
        %dma_start3A_251 = arith.constant 0 : i32
        %dma_start3A_252 = arith.constant 0 : i32
        %dma_start3A_253 = tpu.memref_slice %arg3[%dma_start3A_251, %dma_start3A_252] : memref<10000x128xf32, #tpu.memory_space<hbm>> -> memref<10000x128xf32, #tpu.memory_space<hbm>>
        %dma_start3A_254 = tpu.memref_slice %arg23[%rem3A_219] : memref<2x!tpu.dma_semaphore, #tpu.memory_space<semaphore_mem>> -> memref<1x!tpu.dma_semaphore, #tpu.memory_space<semaphore_mem>>
        %dma_start3A_255 = tpu.memref_squeeze %dma_start3A_254 : memref<1x!tpu.dma_semaphore, #tpu.memory_space<semaphore_mem>> -> memref<!tpu.dma_semaphore, #tpu.memory_space<semaphore_mem>>
        tpu.enqueue_indirect_dma source(%dma_start3A_253 : memref<10000x128xf32, #tpu.memory_space<hbm>>) target(%dma_start3A_249 : memref<64x128xf32, #tpu.memory_space<vmem>>) offsets(%dma_start3A_250 : memref<64xi32, #tpu.memory_space<vmem>>) semaphore(%dma_start3A_255 : memref<!tpu.dma_semaphore, #tpu.memory_space<semaphore_mem>>)
        %add3A_256 = arith.constant 64 : i32
        %add3A_257 = arith.addi %mul3A_221, %add3A_256 : i32
        %mul3A_258 = arith.constant 128 : i32
        %mul3A_259 = arith.muli %rem3A_219, %mul3A_258 : i32
        %add3A_260 = arith.constant 64 : i32
        %add3A_261 = arith.addi %mul3A_259, %add3A_260 : i32
        %dma_start3A_262 = arith.constant 0 : i32
        %dma_start3A_263 = tpu.memref_slice %arg16[%add3A_261, %dma_start3A_262] : memref<256x128xf32, #tpu.memory_space<vmem>> -> memref<64x128xf32, #tpu.memory_space<vmem>>
        %dma_start3A_264 = tpu.memref_slice %arg13[%add3A_257] : memref<10240xi32, #tpu.memory_space<vmem>> -> memref<64xi32, #tpu.memory_space<vmem>>
        %dma_start3A_265 = arith.constant 0 : i32
        %dma_start3A_266 = arith.constant 0 : i32
        %dma_start3A_267 = tpu.memref_slice %arg3[%dma_start3A_265, %dma_start3A_266] : memref<10000x128xf32, #tpu.memory_space<hbm>> -> memref<10000x128xf32, #tpu.memory_space<hbm>>
        %dma_start3A_268 = tpu.memref_slice %arg23[%rem3A_219] : memref<2x!tpu.dma_semaphore, #tpu.memory_space<semaphore_mem>> -> memref<1x!tpu.dma_semaphore, #tpu.memory_space<semaphore_mem>>
        %dma_start3A_269 = tpu.memref_squeeze %dma_start3A_268 : memref<1x!tpu.dma_semaphore, #tpu.memory_space<semaphore_mem>> -> memref<!tpu.dma_semaphore, #tpu.memory_space<semaphore_mem>>
        tpu.enqueue_indirect_dma source(%dma_start3A_267 : memref<10000x128xf32, #tpu.memory_space<hbm>>) target(%dma_start3A_263 : memref<64x128xf32, #tpu.memory_space<vmem>>) offsets(%dma_start3A_264 : memref<64xi32, #tpu.memory_space<vmem>>) semaphore(%dma_start3A_269 : memref<!tpu.dma_semaphore, #tpu.memory_space<semaphore_mem>>)
        %add3A_270 = arith.addi %mul3A_2, %mul3A_221 : i32
        %mul3A_271 = arith.constant 128 : i32
        %mul3A_272 = arith.muli %rem3A_219, %mul3A_271 : i32
        %dma_start3A_273 = tpu.memref_slice %arg14[%mul3A_272] : memref<256xi32, #tpu.memory_space<vmem>> -> memref<128xi32, #tpu.memory_space<vmem>>
        %dma_start3A_274 = tpu.memref_slice %arg7[%add3A_270] : memref<327680xi32, #tpu.memory_space<hbm>> -> memref<128xi32, #tpu.memory_space<hbm>>
        %dma_start3A_275 = tpu.memref_slice %arg23[%rem3A_219] : memref<2x!tpu.dma_semaphore, #tpu.memory_space<semaphore_mem>> -> memref<1x!tpu.dma_semaphore, #tpu.memory_space<semaphore_mem>>
        %dma_start3A_276 = tpu.memref_squeeze %dma_start3A_275 : memref<1x!tpu.dma_semaphore, #tpu.memory_space<semaphore_mem>> -> memref<!tpu.dma_semaphore, #tpu.memory_space<semaphore_mem>>
        %dma_start3A_277 = tpu.memref_slice %arg14[%mul3A_272] : memref<256xi32, #tpu.memory_space<vmem>> -> memref<128xi32, #tpu.memory_space<vmem>>
        %dma_start3A_278 = tpu.memref_slice %arg7[%add3A_270] : memref<327680xi32, #tpu.memory_space<hbm>> -> memref<128xi32, #tpu.memory_space<hbm>>
        tpu.enqueue_dma source(%dma_start3A_278 : memref<128xi32, #tpu.memory_space<hbm>>) target(%dma_start3A_277 : memref<128xi32, #tpu.memory_space<vmem>>) target_semaphore(%dma_start3A_276 : memref<!tpu.dma_semaphore, #tpu.memory_space<semaphore_mem>>)
      } else {
      }
      %mul3A_111 = arith.constant 128 : i32
      %mul3A_112 = arith.muli %rem3A_105, %mul3A_111 : i32
      %dma_wait3A_113 = arith.constant 0 : i32
      %dma_wait3A_114 = tpu.memref_slice %arg15[%mul3A_112, %dma_wait3A_113] : memref<256x128xf32, #tpu.memory_space<vmem>> -> memref<64x128xf32, #tpu.memory_space<vmem>>
      %dma_wait3A_115 = arith.constant 0 : i32
      %dma_wait3A_116 = arith.constant 0 : i32
      %dma_wait3A_117 = tpu.memref_slice %arg2[%dma_wait3A_115, %dma_wait3A_116] : memref<10000x128xf32, #tpu.memory_space<hbm>> -> memref<64x128xf32, #tpu.memory_space<hbm>>
      %dma_wait3A_118 = tpu.memref_slice %arg23[%rem3A_105] : memref<2x!tpu.dma_semaphore, #tpu.memory_space<semaphore_mem>> -> memref<1x!tpu.dma_semaphore, #tpu.memory_space<semaphore_mem>>
      %dma_wait3A_119 = tpu.memref_squeeze %dma_wait3A_118 : memref<1x!tpu.dma_semaphore, #tpu.memory_space<semaphore_mem>> -> memref<!tpu.dma_semaphore, #tpu.memory_space<semaphore_mem>>
      %dma_wait3A_120 = arith.constant 0 : i32
      %dma_wait3A_121 = tpu.memref_slice %arg15[%mul3A_112, %dma_wait3A_120] : memref<256x128xf32, #tpu.memory_space<vmem>> -> memref<64x128xf32, #tpu.memory_space<vmem>>
      %dma_wait3A_122 = arith.constant 0 : i32
      %dma_wait3A_123 = arith.constant 0 : i32
      %dma_wait3A_124 = tpu.memref_slice %arg2[%dma_wait3A_122, %dma_wait3A_123] : memref<10000x128xf32, #tpu.memory_space<hbm>> -> memref<64x128xf32, #tpu.memory_space<hbm>>
      tpu.wait_dma2 semaphore(%dma_wait3A_119 : memref<!tpu.dma_semaphore, #tpu.memory_space<semaphore_mem>>) src(%dma_wait3A_124 : memref<64x128xf32, #tpu.memory_space<hbm>>) dst(%dma_wait3A_121 : memref<64x128xf32, #tpu.memory_space<vmem>>)
      %mul3A_125 = arith.constant 128 : i32
      %mul3A_126 = arith.muli %rem3A_105, %mul3A_125 : i32
      %add3A_127 = arith.constant 64 : i32
      %add3A_128 = arith.addi %mul3A_126, %add3A_127 : i32
      %dma_wait3A_129 = arith.constant 0 : i32
      %dma_wait3A_130 = tpu.memref_slice %arg15[%add3A_128, %dma_wait3A_129] : memref<256x128xf32, #tpu.memory_space<vmem>> -> memref<64x128xf32, #tpu.memory_space<vmem>>
      %dma_wait3A_131 = arith.constant 0 : i32
      %dma_wait3A_132 = arith.constant 0 : i32
      %dma_wait3A_133 = tpu.memref_slice %arg2[%dma_wait3A_131, %dma_wait3A_132] : memref<10000x128xf32, #tpu.memory_space<hbm>> -> memref<64x128xf32, #tpu.memory_space<hbm>>
      %dma_wait3A_134 = tpu.memref_slice %arg23[%rem3A_105] : memref<2x!tpu.dma_semaphore, #tpu.memory_space<semaphore_mem>> -> memref<1x!tpu.dma_semaphore, #tpu.memory_space<semaphore_mem>>
      %dma_wait3A_135 = tpu.memref_squeeze %dma_wait3A_134 : memref<1x!tpu.dma_semaphore, #tpu.memory_space<semaphore_mem>> -> memref<!tpu.dma_semaphore, #tpu.memory_space<semaphore_mem>>
      %dma_wait3A_136 = arith.constant 0 : i32
      %dma_wait3A_137 = tpu.memref_slice %arg15[%add3A_128, %dma_wait3A_136] : memref<256x128xf32, #tpu.memory_space<vmem>> -> memref<64x128xf32, #tpu.memory_space<vmem>>
      %dma_wait3A_138 = arith.constant 0 : i32
      %dma_wait3A_139 = arith.constant 0 : i32
      %dma_wait3A_140 = tpu.memref_slice %arg2[%dma_wait3A_138, %dma_wait3A_139] : memref<10000x128xf32, #tpu.memory_space<hbm>> -> memref<64x128xf32, #tpu.memory_space<hbm>>
      tpu.wait_dma2 semaphore(%dma_wait3A_135 : memref<!tpu.dma_semaphore, #tpu.memory_space<semaphore_mem>>) src(%dma_wait3A_140 : memref<64x128xf32, #tpu.memory_space<hbm>>) dst(%dma_wait3A_137 : memref<64x128xf32, #tpu.memory_space<vmem>>)
      %mul3A_141 = arith.constant 128 : i32
      %mul3A_142 = arith.muli %rem3A_105, %mul3A_141 : i32
      %dma_wait3A_143 = arith.constant 0 : i32
      %dma_wait3A_144 = tpu.memref_slice %arg16[%mul3A_142, %dma_wait3A_143] : memref<256x128xf32, #tpu.memory_space<vmem>> -> memref<64x128xf32, #tpu.memory_space<vmem>>
      %dma_wait3A_145 = arith.constant 0 : i32
      %dma_wait3A_146 = arith.constant 0 : i32
      %dma_wait3A_147 = tpu.memref_slice %arg2[%dma_wait3A_145, %dma_wait3A_146] : memref<10000x128xf32, #tpu.memory_space<hbm>> -> memref<64x128xf32, #tpu.memory_space<hbm>>
      %dma_wait3A_148 = tpu.memref_slice %arg23[%rem3A_105] : memref<2x!tpu.dma_semaphore, #tpu.memory_space<semaphore_mem>> -> memref<1x!tpu.dma_semaphore, #tpu.memory_space<semaphore_mem>>
      %dma_wait3A_149 = tpu.memref_squeeze %dma_wait3A_148 : memref<1x!tpu.dma_semaphore, #tpu.memory_space<semaphore_mem>> -> memref<!tpu.dma_semaphore, #tpu.memory_space<semaphore_mem>>
      %dma_wait3A_150 = arith.constant 0 : i32
      %dma_wait3A_151 = tpu.memref_slice %arg16[%mul3A_142, %dma_wait3A_150] : memref<256x128xf32, #tpu.memory_space<vmem>> -> memref<64x128xf32, #tpu.memory_space<vmem>>
      %dma_wait3A_152 = arith.constant 0 : i32
      %dma_wait3A_153 = arith.constant 0 : i32
      %dma_wait3A_154 = tpu.memref_slice %arg2[%dma_wait3A_152, %dma_wait3A_153] : memref<10000x128xf32, #tpu.memory_space<hbm>> -> memref<64x128xf32, #tpu.memory_space<hbm>>
      tpu.wait_dma2 semaphore(%dma_wait3A_149 : memref<!tpu.dma_semaphore, #tpu.memory_space<semaphore_mem>>) src(%dma_wait3A_154 : memref<64x128xf32, #tpu.memory_space<hbm>>) dst(%dma_wait3A_151 : memref<64x128xf32, #tpu.memory_space<vmem>>)
      %mul3A_155 = arith.constant 128 : i32
      %mul3A_156 = arith.muli %rem3A_105, %mul3A_155 : i32
      %add3A_157 = arith.constant 64 : i32
      %add3A_158 = arith.addi %mul3A_156, %add3A_157 : i32
      %dma_wait3A_159 = arith.constant 0 : i32
      %dma_wait3A_160 = tpu.memref_slice %arg16[%add3A_158, %dma_wait3A_159] : memref<256x128xf32, #tpu.memory_space<vmem>> -> memref<64x128xf32, #tpu.memory_space<vmem>>
      %dma_wait3A_161 = arith.constant 0 : i32
      %dma_wait3A_162 = arith.constant 0 : i32
      %dma_wait3A_163 = tpu.memref_slice %arg2[%dma_wait3A_161, %dma_wait3A_162] : memref<10000x128xf32, #tpu.memory_space<hbm>> -> memref<64x128xf32, #tpu.memory_space<hbm>>
      %dma_wait3A_164 = tpu.memref_slice %arg23[%rem3A_105] : memref<2x!tpu.dma_semaphore, #tpu.memory_space<semaphore_mem>> -> memref<1x!tpu.dma_semaphore, #tpu.memory_space<semaphore_mem>>
      %dma_wait3A_165 = tpu.memref_squeeze %dma_wait3A_164 : memref<1x!tpu.dma_semaphore, #tpu.memory_space<semaphore_mem>> -> memref<!tpu.dma_semaphore, #tpu.memory_space<semaphore_mem>>
      %dma_wait3A_166 = arith.constant 0 : i32
      %dma_wait3A_167 = tpu.memref_slice %arg16[%add3A_158, %dma_wait3A_166] : memref<256x128xf32, #tpu.memory_space<vmem>> -> memref<64x128xf32, #tpu.memory_space<vmem>>
      %dma_wait3A_168 = arith.constant 0 : i32
      %dma_wait3A_169 = arith.constant 0 : i32
      %dma_wait3A_170 = tpu.memref_slice %arg2[%dma_wait3A_168, %dma_wait3A_169] : memref<10000x128xf32, #tpu.memory_space<hbm>> -> memref<64x128xf32, #tpu.memory_space<hbm>>
      tpu.wait_dma2 semaphore(%dma_wait3A_165 : memref<!tpu.dma_semaphore, #tpu.memory_space<semaphore_mem>>) src(%dma_wait3A_170 : memref<64x128xf32, #tpu.memory_space<hbm>>) dst(%dma_wait3A_167 : memref<64x128xf32, #tpu.memory_space<vmem>>)
      %mul3A_171 = arith.constant 128 : i32
      %mul3A_172 = arith.muli %rem3A_105, %mul3A_171 : i32
      %dma_wait3A_173 = tpu.memref_slice %arg14[%mul3A_172] : memref<256xi32, #tpu.memory_space<vmem>> -> memref<128xi32, #tpu.memory_space<vmem>>
      %dma_wait3A_174 = arith.constant 0 : i32
      %dma_wait3A_175 = tpu.memref_slice %arg7[%dma_wait3A_174] : memref<327680xi32, #tpu.memory_space<hbm>> -> memref<128xi32, #tpu.memory_space<hbm>>
      %dma_wait3A_176 = tpu.memref_slice %arg23[%rem3A_105] : memref<2x!tpu.dma_semaphore, #tpu.memory_space<semaphore_mem>> -> memref<1x!tpu.dma_semaphore, #tpu.memory_space<semaphore_mem>>
      %dma_wait3A_177 = tpu.memref_squeeze %dma_wait3A_176 : memref<1x!tpu.dma_semaphore, #tpu.memory_space<semaphore_mem>> -> memref<!tpu.dma_semaphore, #tpu.memory_space<semaphore_mem>>
      %dma_wait3A_178 = tpu.memref_slice %arg14[%mul3A_172] : memref<256xi32, #tpu.memory_space<vmem>> -> memref<128xi32, #tpu.memory_space<vmem>>
      %dma_wait3A_179 = arith.constant 0 : i32
      %dma_wait3A_180 = tpu.memref_slice %arg7[%dma_wait3A_179] : memref<327680xi32, #tpu.memory_space<hbm>> -> memref<128xi32, #tpu.memory_space<hbm>>
      tpu.wait_dma2 semaphore(%dma_wait3A_177 : memref<!tpu.dma_semaphore, #tpu.memory_space<semaphore_mem>>) src(%dma_wait3A_180 : memref<128xi32, #tpu.memory_space<hbm>>) dst(%dma_wait3A_178 : memref<128xi32, #tpu.memory_space<vmem>>)
      %ge3A = arith.constant 2 : i32
      %ge3A_181 = arith.cmpi sge, %scan3A_104, %ge3A : i32
      %convert_element_type3A_182 = arith.extui %ge3A_181 : i1 to i32
      %cond3A_183 = arith.constant 0 : i32
      %cond3A_184 = arith.cmpi ne, %convert_element_type3A_182, %cond3A_183 : i32
      scf.if %cond3A_184 {
        %mul3A_210 = arith.constant 128 : i32
        %mul3A_211 = arith.muli %rem3A_105, %mul3A_210 : i32
        %dma_wait3A_212 = tpu.memref_slice %arg18[%mul3A_211] : memref<256xf32, #tpu.memory_space<vmem>> -> memref<128xf32, #tpu.memory_space<vmem>>
        %dma_wait3A_213 = tpu.memref_slice %arg10[%mul3A_2] : memref<327680xf32, #tpu.memory_space<hbm>> -> memref<128xf32, #tpu.memory_space<hbm>>
        %dma_wait3A_214 = tpu.memref_slice %arg24[%rem3A_105] : memref<2x!tpu.dma_semaphore, #tpu.memory_space<semaphore_mem>> -> memref<1x!tpu.dma_semaphore, #tpu.memory_space<semaphore_mem>>
        %dma_wait3A_215 = tpu.memref_squeeze %dma_wait3A_214 : memref<1x!tpu.dma_semaphore, #tpu.memory_space<semaphore_mem>> -> memref<!tpu.dma_semaphore, #tpu.memory_space<semaphore_mem>>
        %dma_wait3A_216 = tpu.memref_slice %arg10[%mul3A_2] : memref<327680xf32, #tpu.memory_space<hbm>> -> memref<128xf32, #tpu.memory_space<hbm>>
        %dma_wait3A_217 = tpu.memref_slice %arg18[%mul3A_211] : memref<256xf32, #tpu.memory_space<vmem>> -> memref<128xf32, #tpu.memory_space<vmem>>
        tpu.wait_dma2 semaphore(%dma_wait3A_215 : memref<!tpu.dma_semaphore, #tpu.memory_space<semaphore_mem>>) src(%dma_wait3A_217 : memref<128xf32, #tpu.memory_space<vmem>>) dst(%dma_wait3A_216 : memref<128xf32, #tpu.memory_space<hbm>>)
        %dma_wait3A_218 = tpu.memref_slice %arg19[%mul3A_211] : memref<256xf32, #tpu.memory_space<vmem>> -> memref<128xf32, #tpu.memory_space<vmem>>
        %dma_wait3A_219 = tpu.memref_slice %arg11[%mul3A_2] : memref<327680xf32, #tpu.memory_space<hbm>> -> memref<128xf32, #tpu.memory_space<hbm>>
        %dma_wait3A_220 = tpu.memref_slice %arg24[%rem3A_105] : memref<2x!tpu.dma_semaphore, #tpu.memory_space<semaphore_mem>> -> memref<1x!tpu.dma_semaphore, #tpu.memory_space<semaphore_mem>>
        %dma_wait3A_221 = tpu.memref_squeeze %dma_wait3A_220 : memref<1x!tpu.dma_semaphore, #tpu.memory_space<semaphore_mem>> -> memref<!tpu.dma_semaphore, #tpu.memory_space<semaphore_mem>>
        %dma_wait3A_222 = tpu.memref_slice %arg11[%mul3A_2] : memref<327680xf32, #tpu.memory_space<hbm>> -> memref<128xf32, #tpu.memory_space<hbm>>
        %dma_wait3A_223 = tpu.memref_slice %arg19[%mul3A_211] : memref<256xf32, #tpu.memory_space<vmem>> -> memref<128xf32, #tpu.memory_space<vmem>>
        tpu.wait_dma2 semaphore(%dma_wait3A_221 : memref<!tpu.dma_semaphore, #tpu.memory_space<semaphore_mem>>) src(%dma_wait3A_223 : memref<128xf32, #tpu.memory_space<vmem>>) dst(%dma_wait3A_222 : memref<128xf32, #tpu.memory_space<hbm>>)
      } else {
      }
      %mul3A_185 = arith.constant 128 : i32
      %mul3A_186 = arith.muli %rem3A_105, %mul3A_185 : i32
      %scan3A_187 = arith.constant 0 : i32
      %scan3A_188 = arith.constant 0 : i32
      %scan3A_189 = arith.constant 8 : i32
      %scan3A_190 = arith.addi %scan3A_188, %scan3A_189 : i32
      %scan3A_191 = arith.constant 1 : i32
      scf.for %scan3A_210 = %scan3A_188 to %scan3A_190 step %scan3A_191  : i32 {
        %mul3A_211 = arith.constant 16 : i32
        %mul3A_212 = arith.muli %scan3A_210, %mul3A_211 : i32
        %add3A_213 = arith.addi %mul3A_186, %mul3A_212 : i32
        %add3A_214 = vector.broadcast %add3A_213 : i32 to vector<16xi32>
        %add3A_215 = arith.addi %add3A_214, %iota3A : vector<16xi32>
        %mul3A_216 = arith.constant 16 : i32
        %mul3A_217 = arith.muli %scan3A_210, %mul3A_216 : i32
        %add3A_218 = arith.addi %mul3A_186, %mul3A_217 : i32
        %get3A_219 = arith.index_cast %add3A_218 : i32 to index
        %get3A_220 = tpu.vector_load %arg14[%get3A_219] {strides = array<i32>} : memref<256xi32, #tpu.memory_space<vmem>>, vector<16xi32>,
        %broadcast_in_dim3A = vector.broadcast %squeeze3A : f32 to vector<16xf32>
        %scan3A_221 = arith.constant 0 : i32
        %scan3A_222 = arith.constant 8 : i32
        %scan3A_223 = arith.addi %scan3A_221, %scan3A_222 : i32
        %scan3A_224 = arith.constant 1 : i32
        %scan3A_225 = scf.for %scan3A_240 = %scan3A_221 to %scan3A_223 step %scan3A_224 iter_args(%scan3A_241 = %broadcast_in_dim3A) -> (vector<16xf32>)  : i32 {
          %mul3A_242 = arith.constant 16 : i32
          %mul3A_243 = arith.muli %scan3A_240, %mul3A_242 : i32
          %add3A_244 = arith.constant 0 : i32
          %add3A_245 = vector.broadcast %add3A_244 : i32 to vector<16xi32>
          %add3A_246 = arith.addi %iota3A, %add3A_245 : vector<16xi32>
          %and3A = arith.constant 15 : i32
          %and3A_247 = vector.broadcast %and3A : i32 to vector<16xi32>
          %and3A_248 = arith.andi %add3A_246, %and3A_247 : vector<16xi32>
          %add3A_249 = vector.broadcast %mul3A_243 : i32 to vector<16xi32>
          %add3A_250 = arith.addi %add3A_249, %and3A_248 : vector<16xi32>
          %gather3A = tpu.vector_load_idx %arg15[%add3A_215, %add3A_250] : memref<256x128xf32, #tpu.memory_space<vmem>>[vector<16xi32>, vector<16xi32>], vector<16xf32>,
          %gather3A_251 = tpu.vector_load_idx %arg16[%add3A_215, %add3A_250] : memref<256x128xf32, #tpu.memory_space<vmem>>[vector<16xi32>, vector<16xi32>], vector<16xf32>,
          %jit3A = arith.constant 2 : i32
          %div3A_252 = arith.divsi %mul3A_243, %jit3A : i32
          %sign3A = arith.constant 0 : i32
          %sign3A_253 = arith.cmpi sgt, %mul3A_243, %sign3A : i32
          %sign3A_254 = arith.extui %sign3A_253 : i1 to i32
          %sign3A_255 = arith.constant 0 : i32
          %sign3A_256 = arith.cmpi slt, %mul3A_243, %sign3A_255 : i32
          %sign3A_257 = arith.extui %sign3A_256 : i1 to i32
          %sign3A_258 = arith.subi %sign3A_254, %sign3A_257 : i32
          %sign3A_259 = arith.constant 0 : i32
          %sign3A_260 = arith.cmpi sgt, %jit3A, %sign3A_259 : i32
          %sign3A_261 = arith.extui %sign3A_260 : i1 to i32
          %sign3A_262 = arith.constant 0 : i32
          %sign3A_263 = arith.cmpi slt, %jit3A, %sign3A_262 : i32
          %sign3A_264 = arith.extui %sign3A_263 : i1 to i32
          %sign3A_265 = arith.subi %sign3A_261, %sign3A_264 : i32
          %ne3A = arith.cmpi ne, %sign3A_258, %sign3A_265 : i32
          %rem3A_266 = arith.remsi %mul3A_243, %jit3A : i32
          %ne3A_267 = arith.constant 0 : i32
          %ne3A_268 = arith.cmpi ne, %rem3A_266, %ne3A_267 : i32
          %and3A_269 = arith.andi %ne3A, %ne3A_268 : i1
          %sub3A_270 = arith.constant 1 : i32
          %sub3A_271 = arith.subi %div3A_252, %sub3A_270 : i32
          %select_n3A = arith.select %and3A_269, %sub3A_271, %div3A_252 : i32
          %shift_right_arithmetic3A = arith.constant 1 : i32
          %shift_right_arithmetic3A_272 = vector.broadcast %shift_right_arithmetic3A : i32 to vector<16xi32>
          %shift_right_arithmetic3A_273 = arith.shrsi %and3A_248, %shift_right_arithmetic3A_272 : vector<16xi32>
          %add3A_274 = vector.broadcast %select_n3A : i32 to vector<16xi32>
          %add3A_275 = arith.addi %add3A_274, %shift_right_arithmetic3A_273 : vector<16xi32>
          %mul3A_276 = arith.constant 64 : i32
          %mul3A_277 = vector.broadcast %mul3A_276 : i32 to vector<16xi32>
          %mul3A_278 = arith.muli %get3A_220, %mul3A_277 : vector<16xi32>
          %add3A_279 = arith.addi %mul3A_278, %add3A_275 : vector<16xi32>
          %gather3A_280 = tpu.vector_load_idx %arg17[%add3A_279] : memref<32768xi32, #tpu.memory_space<vmem>>[vector<16xi32>], vector<16xi32>,
          %bitcast3A = vector.bitcast %gather3A_280 : vector<16xi32> to vector<32xbf16>
          %unpack3A = tpu.unpack_subelements %bitcast3A, 0 {pack_format = #tpu.pack_format<interleaved>} : vector<32xbf16> -> vector<16xf32>
          %unpack3A_281 = tpu.unpack_subelements %bitcast3A, 1 {pack_format = #tpu.pack_format<interleaved>} : vector<32xbf16> -> vector<16xf32>
          %add3A_282 = arith.constant 0 : i32
          %add3A_283 = vector.broadcast %add3A_282 : i32 to vector<16xi32>
          %add3A_284 = arith.addi %iota3A, %add3A_283 : vector<16xi32>
          %and3A_285 = arith.constant 1 : i32
          %and3A_286 = vector.broadcast %and3A_285 : i32 to vector<16xi32>
          %and3A_287 = arith.andi %add3A_284, %and3A_286 : vector<16xi32>
          %eq3A = arith.constant 1 : i32
          %eq3A_288 = vector.broadcast %eq3A : i32 to vector<16xi32>
          %eq3A_289 = arith.cmpi eq, %and3A_287, %eq3A_288 : vector<16xi32>
          %select_n3A_290 = arith.select %eq3A_289, %unpack3A_281, %unpack3A : vector<16xi1>, vector<16xf32>
          %add3A_291 = arith.constant 0 : i32
          %add3A_292 = arith.addi %mul3A_243, %add3A_291 : i32
          %mul3A_293 = arith.constant 16 : i32
          %mul3A_294 = arith.muli %add3A_292, %mul3A_293 : i32
          %get3A_295 = arith.index_cast %mul3A_294 : i32 to index
          %get3A_296 = tpu.vector_load %arg22[%get3A_295] {strides = array<i32>} : memref<2048xf32, #tpu.memory_space<vmem>>, vector<16xf32>,
          %add3A_297 = arith.addf %gather3A, %gather3A_251 : vector<16xf32>
          %add3A_298 = arith.addf %add3A_297, %select_n3A_290 : vector<16xf32>
          %max3A = arith.constant 0.000000e+00 : f32
          %max3A_299 = vector.broadcast %max3A : f32 to vector<16xf32>
          %max3A_300 = arith.maximumf %add3A_298, %max3A_299 : vector<16xf32>
          %mul3A_301 = arith.mulf %max3A_300, %get3A_296 : vector<16xf32>
          %add3A_302 = arith.addf %scan3A_241, %mul3A_301 : vector<16xf32>
          %add3A_303 = arith.constant 1 : i32
          %add3A_304 = vector.broadcast %add3A_303 : i32 to vector<16xi32>
          %add3A_305 = arith.addi %iota3A, %add3A_304 : vector<16xi32>
          %and3A_306 = arith.constant 15 : i32
          %and3A_307 = vector.broadcast %and3A_306 : i32 to vector<16xi32>
          %and3A_308 = arith.andi %add3A_305, %and3A_307 : vector<16xi32>
          %add3A_309 = vector.broadcast %mul3A_243 : i32 to vector<16xi32>
          %add3A_310 = arith.addi %add3A_309, %and3A_308 : vector<16xi32>
          %gather3A_311 = tpu.vector_load_idx %arg15[%add3A_215, %add3A_310] : memref<256x128xf32, #tpu.memory_space<vmem>>[vector<16xi32>, vector<16xi32>], vector<16xf32>,
          %gather3A_312 = tpu.vector_load_idx %arg16[%add3A_215, %add3A_310] : memref<256x128xf32, #tpu.memory_space<vmem>>[vector<16xi32>, vector<16xi32>], vector<16xf32>,
          %jit3A_313 = arith.constant 2 : i32
          %div3A_314 = arith.divsi %mul3A_243, %jit3A_313 : i32
          %sign3A_315 = arith.constant 0 : i32
          %sign3A_316 = arith.cmpi sgt, %mul3A_243, %sign3A_315 : i32
          %sign3A_317 = arith.extui %sign3A_316 : i1 to i32
          %sign3A_318 = arith.constant 0 : i32
          %sign3A_319 = arith.cmpi slt, %mul3A_243, %sign3A_318 : i32
          %sign3A_320 = arith.extui %sign3A_319 : i1 to i32
          %sign3A_321 = arith.subi %sign3A_317, %sign3A_320 : i32
          %sign3A_322 = arith.constant 0 : i32
          %sign3A_323 = arith.cmpi sgt, %jit3A_313, %sign3A_322 : i32
          %sign3A_324 = arith.extui %sign3A_323 : i1 to i32
          %sign3A_325 = arith.constant 0 : i32
          %sign3A_326 = arith.cmpi slt, %jit3A_313, %sign3A_325 : i32
          %sign3A_327 = arith.extui %sign3A_326 : i1 to i32
          %sign3A_328 = arith.subi %sign3A_324, %sign3A_327 : i32
          %ne3A_329 = arith.cmpi ne, %sign3A_321, %sign3A_328 : i32
          %rem3A_330 = arith.remsi %mul3A_243, %jit3A_313 : i32
          %ne3A_331 = arith.constant 0 : i32
          %ne3A_332 = arith.cmpi ne, %rem3A_330, %ne3A_331 : i32
          %and3A_333 = arith.andi %ne3A_329, %ne3A_332 : i1
          %sub3A_334 = arith.constant 1 : i32
          %sub3A_335 = arith.subi %div3A_314, %sub3A_334 : i32
          %select_n3A_336 = arith.select %and3A_333, %sub3A_335, %div3A_314 : i32
          %shift_right_arithmetic3A_337 = arith.constant 1 : i32
          %shift_right_arithmetic3A_338 = vector.broadcast %shift_right_arithmetic3A_337 : i32 to vector<16xi32>
          %shift_right_arithmetic3A_339 = arith.shrsi %and3A_308, %shift_right_arithmetic3A_338 : vector<16xi32>
          %add3A_340 = vector.broadcast %select_n3A_336 : i32 to vector<16xi32>
          %add3A_341 = arith.addi %add3A_340, %shift_right_arithmetic3A_339 : vector<16xi32>
          %mul3A_342 = arith.constant 64 : i32
          %mul3A_343 = vector.broadcast %mul3A_342 : i32 to vector<16xi32>
          %mul3A_344 = arith.muli %get3A_220, %mul3A_343 : vector<16xi32>
          %add3A_345 = arith.addi %mul3A_344, %add3A_341 : vector<16xi32>
          %gather3A_346 = tpu.vector_load_idx %arg17[%add3A_345] : memref<32768xi32, #tpu.memory_space<vmem>>[vector<16xi32>], vector<16xi32>,
          %bitcast3A_347 = vector.bitcast %gather3A_346 : vector<16xi32> to vector<32xbf16>
          %unpack3A_348 = tpu.unpack_subelements %bitcast3A_347, 0 {pack_format = #tpu.pack_format<interleaved>} : vector<32xbf16> -> vector<16xf32>
          %unpack3A_349 = tpu.unpack_subelements %bitcast3A_347, 1 {pack_format = #tpu.pack_format<interleaved>} : vector<32xbf16> -> vector<16xf32>
          %add3A_350 = arith.constant 1 : i32
          %add3A_351 = vector.broadcast %add3A_350 : i32 to vector<16xi32>
          %add3A_352 = arith.addi %iota3A, %add3A_351 : vector<16xi32>
          %and3A_353 = arith.constant 1 : i32
          %and3A_354 = vector.broadcast %and3A_353 : i32 to vector<16xi32>
          %and3A_355 = arith.andi %add3A_352, %and3A_354 : vector<16xi32>
          %eq3A_356 = arith.constant 1 : i32
          %eq3A_357 = vector.broadcast %eq3A_356 : i32 to vector<16xi32>
          %eq3A_358 = arith.cmpi eq, %and3A_355, %eq3A_357 : vector<16xi32>
          %select_n3A_359 = arith.select %eq3A_358, %unpack3A_349, %unpack3A_348 : vector<16xi1>, vector<16xf32>
          %add3A_360 = arith.constant 1 : i32
          %add3A_361 = arith.addi %mul3A_243, %add3A_360 : i32
          %mul3A_362 = arith.constant 16 : i32
          %mul3A_363 = arith.muli %add3A_361, %mul3A_362 : i32
          %get3A_364 = arith.index_cast %mul3A_363 : i32 to index
          %get3A_365 = tpu.vector_load %arg22[%get3A_364] {strides = array<i32>} : memref<2048xf32, #tpu.memory_space<vmem>>, vector<16xf32>,
          %add3A_366 = arith.addf %gather3A_311, %gather3A_312 : vector<16xf32>
          %add3A_367 = arith.addf %add3A_366, %select_n3A_359 : vector<16xf32>
          %max3A_368 = arith.constant 0.000000e+00 : f32
          %max3A_369 = vector.broadcast %max3A_368 : f32 to vector<16xf32>
          %max3A_370 = arith.maximumf %add3A_367, %max3A_369 : vector<16xf32>
          %mul3A_371 = arith.mulf %max3A_370, %get3A_365 : vector<16xf32>
          %add3A_372 = arith.addf %add3A_302, %mul3A_371 : vector<16xf32>
          %add3A_373 = arith.constant 2 : i32
          %add3A_374 = vector.broadcast %add3A_373 : i32 to vector<16xi32>
          %add3A_375 = arith.addi %iota3A, %add3A_374 : vector<16xi32>
          %and3A_376 = arith.constant 15 : i32
          %and3A_377 = vector.broadcast %and3A_376 : i32 to vector<16xi32>
          %and3A_378 = arith.andi %add3A_375, %and3A_377 : vector<16xi32>
          %add3A_379 = vector.broadcast %mul3A_243 : i32 to vector<16xi32>
          %add3A_380 = arith.addi %add3A_379, %and3A_378 : vector<16xi32>
          %gather3A_381 = tpu.vector_load_idx %arg15[%add3A_215, %add3A_380] : memref<256x128xf32, #tpu.memory_space<vmem>>[vector<16xi32>, vector<16xi32>], vector<16xf32>,
          %gather3A_382 = tpu.vector_load_idx %arg16[%add3A_215, %add3A_380] : memref<256x128xf32, #tpu.memory_space<vmem>>[vector<16xi32>, vector<16xi32>], vector<16xf32>,
          %jit3A_383 = arith.constant 2 : i32
          %div3A_384 = arith.divsi %mul3A_243, %jit3A_383 : i32
          %sign3A_385 = arith.constant 0 : i32
          %sign3A_386 = arith.cmpi sgt, %mul3A_243, %sign3A_385 : i32
          %sign3A_387 = arith.extui %sign3A_386 : i1 to i32
          %sign3A_388 = arith.constant 0 : i32
          %sign3A_389 = arith.cmpi slt, %mul3A_243, %sign3A_388 : i32
          %sign3A_390 = arith.extui %sign3A_389 : i1 to i32
          %sign3A_391 = arith.subi %sign3A_387, %sign3A_390 : i32
          %sign3A_392 = arith.constant 0 : i32
          %sign3A_393 = arith.cmpi sgt, %jit3A_383, %sign3A_392 : i32
          %sign3A_394 = arith.extui %sign3A_393 : i1 to i32
          %sign3A_395 = arith.constant 0 : i32
          %sign3A_396 = arith.cmpi slt, %jit3A_383, %sign3A_395 : i32
          %sign3A_397 = arith.extui %sign3A_396 : i1 to i32
          %sign3A_398 = arith.subi %sign3A_394, %sign3A_397 : i32
          %ne3A_399 = arith.cmpi ne, %sign3A_391, %sign3A_398 : i32
          %rem3A_400 = arith.remsi %mul3A_243, %jit3A_383 : i32
          %ne3A_401 = arith.constant 0 : i32
          %ne3A_402 = arith.cmpi ne, %rem3A_400, %ne3A_401 : i32
          %and3A_403 = arith.andi %ne3A_399, %ne3A_402 : i1
          %sub3A_404 = arith.constant 1 : i32
          %sub3A_405 = arith.subi %div3A_384, %sub3A_404 : i32
          %select_n3A_406 = arith.select %and3A_403, %sub3A_405, %div3A_384 : i32
          %shift_right_arithmetic3A_407 = arith.constant 1 : i32
          %shift_right_arithmetic3A_408 = vector.broadcast %shift_right_arithmetic3A_407 : i32 to vector<16xi32>
          %shift_right_arithmetic3A_409 = arith.shrsi %and3A_378, %shift_right_arithmetic3A_408 : vector<16xi32>
          %add3A_410 = vector.broadcast %select_n3A_406 : i32 to vector<16xi32>
          %add3A_411 = arith.addi %add3A_410, %shift_right_arithmetic3A_409 : vector<16xi32>
          %mul3A_412 = arith.constant 64 : i32
          %mul3A_413 = vector.broadcast %mul3A_412 : i32 to vector<16xi32>
          %mul3A_414 = arith.muli %get3A_220, %mul3A_413 : vector<16xi32>
          %add3A_415 = arith.addi %mul3A_414, %add3A_411 : vector<16xi32>
          %gather3A_416 = tpu.vector_load_idx %arg17[%add3A_415] : memref<32768xi32, #tpu.memory_space<vmem>>[vector<16xi32>], vector<16xi32>,
          %bitcast3A_417 = vector.bitcast %gather3A_416 : vector<16xi32> to vector<32xbf16>
          %unpack3A_418 = tpu.unpack_subelements %bitcast3A_417, 0 {pack_format = #tpu.pack_format<interleaved>} : vector<32xbf16> -> vector<16xf32>
          %unpack3A_419 = tpu.unpack_subelements %bitcast3A_417, 1 {pack_format = #tpu.pack_format<interleaved>} : vector<32xbf16> -> vector<16xf32>
          %add3A_420 = arith.constant 2 : i32
          %add3A_421 = vector.broadcast %add3A_420 : i32 to vector<16xi32>
          %add3A_422 = arith.addi %iota3A, %add3A_421 : vector<16xi32>
          %and3A_423 = arith.constant 1 : i32
          %and3A_424 = vector.broadcast %and3A_423 : i32 to vector<16xi32>
          %and3A_425 = arith.andi %add3A_422, %and3A_424 : vector<16xi32>
          %eq3A_426 = arith.constant 1 : i32
          %eq3A_427 = vector.broadcast %eq3A_426 : i32 to vector<16xi32>
          %eq3A_428 = arith.cmpi eq, %and3A_425, %eq3A_427 : vector<16xi32>
          %select_n3A_429 = arith.select %eq3A_428, %unpack3A_419, %unpack3A_418 : vector<16xi1>, vector<16xf32>
          %add3A_430 = arith.constant 2 : i32
          %add3A_431 = arith.addi %mul3A_243, %add3A_430 : i32
          %mul3A_432 = arith.constant 16 : i32
          %mul3A_433 = arith.muli %add3A_431, %mul3A_432 : i32
          %get3A_434 = arith.index_cast %mul3A_433 : i32 to index
          %get3A_435 = tpu.vector_load %arg22[%get3A_434] {strides = array<i32>} : memref<2048xf32, #tpu.memory_space<vmem>>, vector<16xf32>,
          %add3A_436 = arith.addf %gather3A_381, %gather3A_382 : vector<16xf32>
          %add3A_437 = arith.addf %add3A_436, %select_n3A_429 : vector<16xf32>
          %max3A_438 = arith.constant 0.000000e+00 : f32
          %max3A_439 = vector.broadcast %max3A_438 : f32 to vector<16xf32>
          %max3A_440 = arith.maximumf %add3A_437, %max3A_439 : vector<16xf32>
          %mul3A_441 = arith.mulf %max3A_440, %get3A_435 : vector<16xf32>
          %add3A_442 = arith.addf %add3A_372, %mul3A_441 : vector<16xf32>
          %add3A_443 = arith.constant 3 : i32
          %add3A_444 = vector.broadcast %add3A_443 : i32 to vector<16xi32>
          %add3A_445 = arith.addi %iota3A, %add3A_444 : vector<16xi32>
          %and3A_446 = arith.constant 15 : i32
          %and3A_447 = vector.broadcast %and3A_446 : i32 to vector<16xi32>
          %and3A_448 = arith.andi %add3A_445, %and3A_447 : vector<16xi32>
          %add3A_449 = vector.broadcast %mul3A_243 : i32 to vector<16xi32>
          %add3A_450 = arith.addi %add3A_449, %and3A_448 : vector<16xi32>
          %gather3A_451 = tpu.vector_load_idx %arg15[%add3A_215, %add3A_450] : memref<256x128xf32, #tpu.memory_space<vmem>>[vector<16xi32>, vector<16xi32>], vector<16xf32>,
          %gather3A_452 = tpu.vector_load_idx %arg16[%add3A_215, %add3A_450] : memref<256x128xf32, #tpu.memory_space<vmem>>[vector<16xi32>, vector<16xi32>], vector<16xf32>,
          %jit3A_453 = arith.constant 2 : i32
          %div3A_454 = arith.divsi %mul3A_243, %jit3A_453 : i32
          %sign3A_455 = arith.constant 0 : i32
          %sign3A_456 = arith.cmpi sgt, %mul3A_243, %sign3A_455 : i32
          %sign3A_457 = arith.extui %sign3A_456 : i1 to i32
          %sign3A_458 = arith.constant 0 : i32
          %sign3A_459 = arith.cmpi slt, %mul3A_243, %sign3A_458 : i32
          %sign3A_460 = arith.extui %sign3A_459 : i1 to i32
          %sign3A_461 = arith.subi %sign3A_457, %sign3A_460 : i32
          %sign3A_462 = arith.constant 0 : i32
          %sign3A_463 = arith.cmpi sgt, %jit3A_453, %sign3A_462 : i32
          %sign3A_464 = arith.extui %sign3A_463 : i1 to i32
          %sign3A_465 = arith.constant 0 : i32
          %sign3A_466 = arith.cmpi slt, %jit3A_453, %sign3A_465 : i32
          %sign3A_467 = arith.extui %sign3A_466 : i1 to i32
          %sign3A_468 = arith.subi %sign3A_464, %sign3A_467 : i32
          %ne3A_469 = arith.cmpi ne, %sign3A_461, %sign3A_468 : i32
          %rem3A_470 = arith.remsi %mul3A_243, %jit3A_453 : i32
          %ne3A_471 = arith.constant 0 : i32
          %ne3A_472 = arith.cmpi ne, %rem3A_470, %ne3A_471 : i32
          %and3A_473 = arith.andi %ne3A_469, %ne3A_472 : i1
          %sub3A_474 = arith.constant 1 : i32
          %sub3A_475 = arith.subi %div3A_454, %sub3A_474 : i32
          %select_n3A_476 = arith.select %and3A_473, %sub3A_475, %div3A_454 : i32
          %shift_right_arithmetic3A_477 = arith.constant 1 : i32
          %shift_right_arithmetic3A_478 = vector.broadcast %shift_right_arithmetic3A_477 : i32 to vector<16xi32>
          %shift_right_arithmetic3A_479 = arith.shrsi %and3A_448, %shift_right_arithmetic3A_478 : vector<16xi32>
          %add3A_480 = vector.broadcast %select_n3A_476 : i32 to vector<16xi32>
          %add3A_481 = arith.addi %add3A_480, %shift_right_arithmetic3A_479 : vector<16xi32>
          %mul3A_482 = arith.constant 64 : i32
          %mul3A_483 = vector.broadcast %mul3A_482 : i32 to vector<16xi32>
          %mul3A_484 = arith.muli %get3A_220, %mul3A_483 : vector<16xi32>
          %add3A_485 = arith.addi %mul3A_484, %add3A_481 : vector<16xi32>
          %gather3A_486 = tpu.vector_load_idx %arg17[%add3A_485] : memref<32768xi32, #tpu.memory_space<vmem>>[vector<16xi32>], vector<16xi32>,
          %bitcast3A_487 = vector.bitcast %gather3A_486 : vector<16xi32> to vector<32xbf16>
          %unpack3A_488 = tpu.unpack_subelements %bitcast3A_487, 0 {pack_format = #tpu.pack_format<interleaved>} : vector<32xbf16> -> vector<16xf32>
          %unpack3A_489 = tpu.unpack_subelements %bitcast3A_487, 1 {pack_format = #tpu.pack_format<interleaved>} : vector<32xbf16> -> vector<16xf32>
          %add3A_490 = arith.constant 3 : i32
          %add3A_491 = vector.broadcast %add3A_490 : i32 to vector<16xi32>
          %add3A_492 = arith.addi %iota3A, %add3A_491 : vector<16xi32>
          %and3A_493 = arith.constant 1 : i32
          %and3A_494 = vector.broadcast %and3A_493 : i32 to vector<16xi32>
          %and3A_495 = arith.andi %add3A_492, %and3A_494 : vector<16xi32>
          %eq3A_496 = arith.constant 1 : i32
          %eq3A_497 = vector.broadcast %eq3A_496 : i32 to vector<16xi32>
          %eq3A_498 = arith.cmpi eq, %and3A_495, %eq3A_497 : vector<16xi32>
          %select_n3A_499 = arith.select %eq3A_498, %unpack3A_489, %unpack3A_488 : vector<16xi1>, vector<16xf32>
          %add3A_500 = arith.constant 3 : i32
          %add3A_501 = arith.addi %mul3A_243, %add3A_500 : i32
          %mul3A_502 = arith.constant 16 : i32
          %mul3A_503 = arith.muli %add3A_501, %mul3A_502 : i32
          %get3A_504 = arith.index_cast %mul3A_503 : i32 to index
          %get3A_505 = tpu.vector_load %arg22[%get3A_504] {strides = array<i32>} : memref<2048xf32, #tpu.memory_space<vmem>>, vector<16xf32>,
          %add3A_506 = arith.addf %gather3A_451, %gather3A_452 : vector<16xf32>
          %add3A_507 = arith.addf %add3A_506, %select_n3A_499 : vector<16xf32>
          %max3A_508 = arith.constant 0.000000e+00 : f32
          %max3A_509 = vector.broadcast %max3A_508 : f32 to vector<16xf32>
          %max3A_510 = arith.maximumf %add3A_507, %max3A_509 : vector<16xf32>
          %mul3A_511 = arith.mulf %max3A_510, %get3A_505 : vector<16xf32>
          %add3A_512 = arith.addf %add3A_442, %mul3A_511 : vector<16xf32>
          %add3A_513 = arith.constant 4 : i32
          %add3A_514 = vector.broadcast %add3A_513 : i32 to vector<16xi32>
          %add3A_515 = arith.addi %iota3A, %add3A_514 : vector<16xi32>
          %and3A_516 = arith.constant 15 : i32
          %and3A_517 = vector.broadcast %and3A_516 : i32 to vector<16xi32>
          %and3A_518 = arith.andi %add3A_515, %and3A_517 : vector<16xi32>
          %add3A_519 = vector.broadcast %mul3A_243 : i32 to vector<16xi32>
          %add3A_520 = arith.addi %add3A_519, %and3A_518 : vector<16xi32>
          %gather3A_521 = tpu.vector_load_idx %arg15[%add3A_215, %add3A_520] : memref<256x128xf32, #tpu.memory_space<vmem>>[vector<16xi32>, vector<16xi32>], vector<16xf32>,
          %gather3A_522 = tpu.vector_load_idx %arg16[%add3A_215, %add3A_520] : memref<256x128xf32, #tpu.memory_space<vmem>>[vector<16xi32>, vector<16xi32>], vector<16xf32>,
          %jit3A_523 = arith.constant 2 : i32
          %div3A_524 = arith.divsi %mul3A_243, %jit3A_523 : i32
          %sign3A_525 = arith.constant 0 : i32
          %sign3A_526 = arith.cmpi sgt, %mul3A_243, %sign3A_525 : i32
          %sign3A_527 = arith.extui %sign3A_526 : i1 to i32
          %sign3A_528 = arith.constant 0 : i32
          %sign3A_529 = arith.cmpi slt, %mul3A_243, %sign3A_528 : i32
          %sign3A_530 = arith.extui %sign3A_529 : i1 to i32
          %sign3A_531 = arith.subi %sign3A_527, %sign3A_530 : i32
          %sign3A_532 = arith.constant 0 : i32
          %sign3A_533 = arith.cmpi sgt, %jit3A_523, %sign3A_532 : i32
          %sign3A_534 = arith.extui %sign3A_533 : i1 to i32
          %sign3A_535 = arith.constant 0 : i32
          %sign3A_536 = arith.cmpi slt, %jit3A_523, %sign3A_535 : i32
          %sign3A_537 = arith.extui %sign3A_536 : i1 to i32
          %sign3A_538 = arith.subi %sign3A_534, %sign3A_537 : i32
          %ne3A_539 = arith.cmpi ne, %sign3A_531, %sign3A_538 : i32
          %rem3A_540 = arith.remsi %mul3A_243, %jit3A_523 : i32
          %ne3A_541 = arith.constant 0 : i32
          %ne3A_542 = arith.cmpi ne, %rem3A_540, %ne3A_541 : i32
          %and3A_543 = arith.andi %ne3A_539, %ne3A_542 : i1
          %sub3A_544 = arith.constant 1 : i32
          %sub3A_545 = arith.subi %div3A_524, %sub3A_544 : i32
          %select_n3A_546 = arith.select %and3A_543, %sub3A_545, %div3A_524 : i32
          %shift_right_arithmetic3A_547 = arith.constant 1 : i32
          %shift_right_arithmetic3A_548 = vector.broadcast %shift_right_arithmetic3A_547 : i32 to vector<16xi32>
          %shift_right_arithmetic3A_549 = arith.shrsi %and3A_518, %shift_right_arithmetic3A_548 : vector<16xi32>
          %add3A_550 = vector.broadcast %select_n3A_546 : i32 to vector<16xi32>
          %add3A_551 = arith.addi %add3A_550, %shift_right_arithmetic3A_549 : vector<16xi32>
          %mul3A_552 = arith.constant 64 : i32
          %mul3A_553 = vector.broadcast %mul3A_552 : i32 to vector<16xi32>
          %mul3A_554 = arith.muli %get3A_220, %mul3A_553 : vector<16xi32>
          %add3A_555 = arith.addi %mul3A_554, %add3A_551 : vector<16xi32>
          %gather3A_556 = tpu.vector_load_idx %arg17[%add3A_555] : memref<32768xi32, #tpu.memory_space<vmem>>[vector<16xi32>], vector<16xi32>,
          %bitcast3A_557 = vector.bitcast %gather3A_556 : vector<16xi32> to vector<32xbf16>
          %unpack3A_558 = tpu.unpack_subelements %bitcast3A_557, 0 {pack_format = #tpu.pack_format<interleaved>} : vector<32xbf16> -> vector<16xf32>
          %unpack3A_559 = tpu.unpack_subelements %bitcast3A_557, 1 {pack_format = #tpu.pack_format<interleaved>} : vector<32xbf16> -> vector<16xf32>
          %add3A_560 = arith.constant 4 : i32
          %add3A_561 = vector.broadcast %add3A_560 : i32 to vector<16xi32>
          %add3A_562 = arith.addi %iota3A, %add3A_561 : vector<16xi32>
          %and3A_563 = arith.constant 1 : i32
          %and3A_564 = vector.broadcast %and3A_563 : i32 to vector<16xi32>
          %and3A_565 = arith.andi %add3A_562, %and3A_564 : vector<16xi32>
          %eq3A_566 = arith.constant 1 : i32
          %eq3A_567 = vector.broadcast %eq3A_566 : i32 to vector<16xi32>
          %eq3A_568 = arith.cmpi eq, %and3A_565, %eq3A_567 : vector<16xi32>
          %select_n3A_569 = arith.select %eq3A_568, %unpack3A_559, %unpack3A_558 : vector<16xi1>, vector<16xf32>
          %add3A_570 = arith.constant 4 : i32
          %add3A_571 = arith.addi %mul3A_243, %add3A_570 : i32
          %mul3A_572 = arith.constant 16 : i32
          %mul3A_573 = arith.muli %add3A_571, %mul3A_572 : i32
          %get3A_574 = arith.index_cast %mul3A_573 : i32 to index
          %get3A_575 = tpu.vector_load %arg22[%get3A_574] {strides = array<i32>} : memref<2048xf32, #tpu.memory_space<vmem>>, vector<16xf32>,
          %add3A_576 = arith.addf %gather3A_521, %gather3A_522 : vector<16xf32>
          %add3A_577 = arith.addf %add3A_576, %select_n3A_569 : vector<16xf32>
          %max3A_578 = arith.constant 0.000000e+00 : f32
          %max3A_579 = vector.broadcast %max3A_578 : f32 to vector<16xf32>
          %max3A_580 = arith.maximumf %add3A_577, %max3A_579 : vector<16xf32>
          %mul3A_581 = arith.mulf %max3A_580, %get3A_575 : vector<16xf32>
          %add3A_582 = arith.addf %add3A_512, %mul3A_581 : vector<16xf32>
          %add3A_583 = arith.constant 5 : i32
          %add3A_584 = vector.broadcast %add3A_583 : i32 to vector<16xi32>
          %add3A_585 = arith.addi %iota3A, %add3A_584 : vector<16xi32>
          %and3A_586 = arith.constant 15 : i32
          %and3A_587 = vector.broadcast %and3A_586 : i32 to vector<16xi32>
          %and3A_588 = arith.andi %add3A_585, %and3A_587 : vector<16xi32>
          %add3A_589 = vector.broadcast %mul3A_243 : i32 to vector<16xi32>
          %add3A_590 = arith.addi %add3A_589, %and3A_588 : vector<16xi32>
          %gather3A_591 = tpu.vector_load_idx %arg15[%add3A_215, %add3A_590] : memref<256x128xf32, #tpu.memory_space<vmem>>[vector<16xi32>, vector<16xi32>], vector<16xf32>,
          %gather3A_592 = tpu.vector_load_idx %arg16[%add3A_215, %add3A_590] : memref<256x128xf32, #tpu.memory_space<vmem>>[vector<16xi32>, vector<16xi32>], vector<16xf32>,
          %jit3A_593 = arith.constant 2 : i32
          %div3A_594 = arith.divsi %mul3A_243, %jit3A_593 : i32
          %sign3A_595 = arith.constant 0 : i32
          %sign3A_596 = arith.cmpi sgt, %mul3A_243, %sign3A_595 : i32
          %sign3A_597 = arith.extui %sign3A_596 : i1 to i32
          %sign3A_598 = arith.constant 0 : i32
          %sign3A_599 = arith.cmpi slt, %mul3A_243, %sign3A_598 : i32
          %sign3A_600 = arith.extui %sign3A_599 : i1 to i32
          %sign3A_601 = arith.subi %sign3A_597, %sign3A_600 : i32
          %sign3A_602 = arith.constant 0 : i32
          %sign3A_603 = arith.cmpi sgt, %jit3A_593, %sign3A_602 : i32
          %sign3A_604 = arith.extui %sign3A_603 : i1 to i32
          %sign3A_605 = arith.constant 0 : i32
          %sign3A_606 = arith.cmpi slt, %jit3A_593, %sign3A_605 : i32
          %sign3A_607 = arith.extui %sign3A_606 : i1 to i32
          %sign3A_608 = arith.subi %sign3A_604, %sign3A_607 : i32
          %ne3A_609 = arith.cmpi ne, %sign3A_601, %sign3A_608 : i32
          %rem3A_610 = arith.remsi %mul3A_243, %jit3A_593 : i32
          %ne3A_611 = arith.constant 0 : i32
          %ne3A_612 = arith.cmpi ne, %rem3A_610, %ne3A_611 : i32
          %and3A_613 = arith.andi %ne3A_609, %ne3A_612 : i1
          %sub3A_614 = arith.constant 1 : i32
          %sub3A_615 = arith.subi %div3A_594, %sub3A_614 : i32
          %select_n3A_616 = arith.select %and3A_613, %sub3A_615, %div3A_594 : i32
          %shift_right_arithmetic3A_617 = arith.constant 1 : i32
          %shift_right_arithmetic3A_618 = vector.broadcast %shift_right_arithmetic3A_617 : i32 to vector<16xi32>
          %shift_right_arithmetic3A_619 = arith.shrsi %and3A_588, %shift_right_arithmetic3A_618 : vector<16xi32>
          %add3A_620 = vector.broadcast %select_n3A_616 : i32 to vector<16xi32>
          %add3A_621 = arith.addi %add3A_620, %shift_right_arithmetic3A_619 : vector<16xi32>
          %mul3A_622 = arith.constant 64 : i32
          %mul3A_623 = vector.broadcast %mul3A_622 : i32 to vector<16xi32>
          %mul3A_624 = arith.muli %get3A_220, %mul3A_623 : vector<16xi32>
          %add3A_625 = arith.addi %mul3A_624, %add3A_621 : vector<16xi32>
          %gather3A_626 = tpu.vector_load_idx %arg17[%add3A_625] : memref<32768xi32, #tpu.memory_space<vmem>>[vector<16xi32>], vector<16xi32>,
          %bitcast3A_627 = vector.bitcast %gather3A_626 : vector<16xi32> to vector<32xbf16>
          %unpack3A_628 = tpu.unpack_subelements %bitcast3A_627, 0 {pack_format = #tpu.pack_format<interleaved>} : vector<32xbf16> -> vector<16xf32>
          %unpack3A_629 = tpu.unpack_subelements %bitcast3A_627, 1 {pack_format = #tpu.pack_format<interleaved>} : vector<32xbf16> -> vector<16xf32>
          %add3A_630 = arith.constant 5 : i32
          %add3A_631 = vector.broadcast %add3A_630 : i32 to vector<16xi32>
          %add3A_632 = arith.addi %iota3A, %add3A_631 : vector<16xi32>
          %and3A_633 = arith.constant 1 : i32
          %and3A_634 = vector.broadcast %and3A_633 : i32 to vector<16xi32>
          %and3A_635 = arith.andi %add3A_632, %and3A_634 : vector<16xi32>
          %eq3A_636 = arith.constant 1 : i32
          %eq3A_637 = vector.broadcast %eq3A_636 : i32 to vector<16xi32>
          %eq3A_638 = arith.cmpi eq, %and3A_635, %eq3A_637 : vector<16xi32>
          %select_n3A_639 = arith.select %eq3A_638, %unpack3A_629, %unpack3A_628 : vector<16xi1>, vector<16xf32>
          %add3A_640 = arith.constant 5 : i32
          %add3A_641 = arith.addi %mul3A_243, %add3A_640 : i32
          %mul3A_642 = arith.constant 16 : i32
          %mul3A_643 = arith.muli %add3A_641, %mul3A_642 : i32
          %get3A_644 = arith.index_cast %mul3A_643 : i32 to index
          %get3A_645 = tpu.vector_load %arg22[%get3A_644] {strides = array<i32>} : memref<2048xf32, #tpu.memory_space<vmem>>, vector<16xf32>,
          %add3A_646 = arith.addf %gather3A_591, %gather3A_592 : vector<16xf32>
          %add3A_647 = arith.addf %add3A_646, %select_n3A_639 : vector<16xf32>
          %max3A_648 = arith.constant 0.000000e+00 : f32
          %max3A_649 = vector.broadcast %max3A_648 : f32 to vector<16xf32>
          %max3A_650 = arith.maximumf %add3A_647, %max3A_649 : vector<16xf32>
          %mul3A_651 = arith.mulf %max3A_650, %get3A_645 : vector<16xf32>
          %add3A_652 = arith.addf %add3A_582, %mul3A_651 : vector<16xf32>
          %add3A_653 = arith.constant 6 : i32
          %add3A_654 = vector.broadcast %add3A_653 : i32 to vector<16xi32>
          %add3A_655 = arith.addi %iota3A, %add3A_654 : vector<16xi32>
          %and3A_656 = arith.constant 15 : i32
          %and3A_657 = vector.broadcast %and3A_656 : i32 to vector<16xi32>
          %and3A_658 = arith.andi %add3A_655, %and3A_657 : vector<16xi32>
          %add3A_659 = vector.broadcast %mul3A_243 : i32 to vector<16xi32>
          %add3A_660 = arith.addi %add3A_659, %and3A_658 : vector<16xi32>
          %gather3A_661 = tpu.vector_load_idx %arg15[%add3A_215, %add3A_660] : memref<256x128xf32, #tpu.memory_space<vmem>>[vector<16xi32>, vector<16xi32>], vector<16xf32>,
          %gather3A_662 = tpu.vector_load_idx %arg16[%add3A_215, %add3A_660] : memref<256x128xf32, #tpu.memory_space<vmem>>[vector<16xi32>, vector<16xi32>], vector<16xf32>,
          %jit3A_663 = arith.constant 2 : i32
          %div3A_664 = arith.divsi %mul3A_243, %jit3A_663 : i32
          %sign3A_665 = arith.constant 0 : i32
          %sign3A_666 = arith.cmpi sgt, %mul3A_243, %sign3A_665 : i32
          %sign3A_667 = arith.extui %sign3A_666 : i1 to i32
          %sign3A_668 = arith.constant 0 : i32
          %sign3A_669 = arith.cmpi slt, %mul3A_243, %sign3A_668 : i32
          %sign3A_670 = arith.extui %sign3A_669 : i1 to i32
          %sign3A_671 = arith.subi %sign3A_667, %sign3A_670 : i32
          %sign3A_672 = arith.constant 0 : i32
          %sign3A_673 = arith.cmpi sgt, %jit3A_663, %sign3A_672 : i32
          %sign3A_674 = arith.extui %sign3A_673 : i1 to i32
          %sign3A_675 = arith.constant 0 : i32
          %sign3A_676 = arith.cmpi slt, %jit3A_663, %sign3A_675 : i32
          %sign3A_677 = arith.extui %sign3A_676 : i1 to i32
          %sign3A_678 = arith.subi %sign3A_674, %sign3A_677 : i32
          %ne3A_679 = arith.cmpi ne, %sign3A_671, %sign3A_678 : i32
          %rem3A_680 = arith.remsi %mul3A_243, %jit3A_663 : i32
          %ne3A_681 = arith.constant 0 : i32
          %ne3A_682 = arith.cmpi ne, %rem3A_680, %ne3A_681 : i32
          %and3A_683 = arith.andi %ne3A_679, %ne3A_682 : i1
          %sub3A_684 = arith.constant 1 : i32
          %sub3A_685 = arith.subi %div3A_664, %sub3A_684 : i32
          %select_n3A_686 = arith.select %and3A_683, %sub3A_685, %div3A_664 : i32
          %shift_right_arithmetic3A_687 = arith.constant 1 : i32
          %shift_right_arithmetic3A_688 = vector.broadcast %shift_right_arithmetic3A_687 : i32 to vector<16xi32>
          %shift_right_arithmetic3A_689 = arith.shrsi %and3A_658, %shift_right_arithmetic3A_688 : vector<16xi32>
          %add3A_690 = vector.broadcast %select_n3A_686 : i32 to vector<16xi32>
          %add3A_691 = arith.addi %add3A_690, %shift_right_arithmetic3A_689 : vector<16xi32>
          %mul3A_692 = arith.constant 64 : i32
          %mul3A_693 = vector.broadcast %mul3A_692 : i32 to vector<16xi32>
          %mul3A_694 = arith.muli %get3A_220, %mul3A_693 : vector<16xi32>
          %add3A_695 = arith.addi %mul3A_694, %add3A_691 : vector<16xi32>
          %gather3A_696 = tpu.vector_load_idx %arg17[%add3A_695] : memref<32768xi32, #tpu.memory_space<vmem>>[vector<16xi32>], vector<16xi32>,
          %bitcast3A_697 = vector.bitcast %gather3A_696 : vector<16xi32> to vector<32xbf16>
          %unpack3A_698 = tpu.unpack_subelements %bitcast3A_697, 0 {pack_format = #tpu.pack_format<interleaved>} : vector<32xbf16> -> vector<16xf32>
          %unpack3A_699 = tpu.unpack_subelements %bitcast3A_697, 1 {pack_format = #tpu.pack_format<interleaved>} : vector<32xbf16> -> vector<16xf32>
          %add3A_700 = arith.constant 6 : i32
          %add3A_701 = vector.broadcast %add3A_700 : i32 to vector<16xi32>
          %add3A_702 = arith.addi %iota3A, %add3A_701 : vector<16xi32>
          %and3A_703 = arith.constant 1 : i32
          %and3A_704 = vector.broadcast %and3A_703 : i32 to vector<16xi32>
          %and3A_705 = arith.andi %add3A_702, %and3A_704 : vector<16xi32>
          %eq3A_706 = arith.constant 1 : i32
          %eq3A_707 = vector.broadcast %eq3A_706 : i32 to vector<16xi32>
          %eq3A_708 = arith.cmpi eq, %and3A_705, %eq3A_707 : vector<16xi32>
          %select_n3A_709 = arith.select %eq3A_708, %unpack3A_699, %unpack3A_698 : vector<16xi1>, vector<16xf32>
          %add3A_710 = arith.constant 6 : i32
          %add3A_711 = arith.addi %mul3A_243, %add3A_710 : i32
          %mul3A_712 = arith.constant 16 : i32
          %mul3A_713 = arith.muli %add3A_711, %mul3A_712 : i32
          %get3A_714 = arith.index_cast %mul3A_713 : i32 to index
          %get3A_715 = tpu.vector_load %arg22[%get3A_714] {strides = array<i32>} : memref<2048xf32, #tpu.memory_space<vmem>>, vector<16xf32>,
          %add3A_716 = arith.addf %gather3A_661, %gather3A_662 : vector<16xf32>
          %add3A_717 = arith.addf %add3A_716, %select_n3A_709 : vector<16xf32>
          %max3A_718 = arith.constant 0.000000e+00 : f32
          %max3A_719 = vector.broadcast %max3A_718 : f32 to vector<16xf32>
          %max3A_720 = arith.maximumf %add3A_717, %max3A_719 : vector<16xf32>
          %mul3A_721 = arith.mulf %max3A_720, %get3A_715 : vector<16xf32>
          %add3A_722 = arith.addf %add3A_652, %mul3A_721 : vector<16xf32>
          %add3A_723 = arith.constant 7 : i32
          %add3A_724 = vector.broadcast %add3A_723 : i32 to vector<16xi32>
          %add3A_725 = arith.addi %iota3A, %add3A_724 : vector<16xi32>
          %and3A_726 = arith.constant 15 : i32
          %and3A_727 = vector.broadcast %and3A_726 : i32 to vector<16xi32>
          %and3A_728 = arith.andi %add3A_725, %and3A_727 : vector<16xi32>
          %add3A_729 = vector.broadcast %mul3A_243 : i32 to vector<16xi32>
          %add3A_730 = arith.addi %add3A_729, %and3A_728 : vector<16xi32>
          %gather3A_731 = tpu.vector_load_idx %arg15[%add3A_215, %add3A_730] : memref<256x128xf32, #tpu.memory_space<vmem>>[vector<16xi32>, vector<16xi32>], vector<16xf32>,
          %gather3A_732 = tpu.vector_load_idx %arg16[%add3A_215, %add3A_730] : memref<256x128xf32, #tpu.memory_space<vmem>>[vector<16xi32>, vector<16xi32>], vector<16xf32>,
          %jit3A_733 = arith.constant 2 : i32
          %div3A_734 = arith.divsi %mul3A_243, %jit3A_733 : i32
          %sign3A_735 = arith.constant 0 : i32
          %sign3A_736 = arith.cmpi sgt, %mul3A_243, %sign3A_735 : i32
          %sign3A_737 = arith.extui %sign3A_736 : i1 to i32
          %sign3A_738 = arith.constant 0 : i32
          %sign3A_739 = arith.cmpi slt, %mul3A_243, %sign3A_738 : i32
          %sign3A_740 = arith.extui %sign3A_739 : i1 to i32
          %sign3A_741 = arith.subi %sign3A_737, %sign3A_740 : i32
          %sign3A_742 = arith.constant 0 : i32
          %sign3A_743 = arith.cmpi sgt, %jit3A_733, %sign3A_742 : i32
          %sign3A_744 = arith.extui %sign3A_743 : i1 to i32
          %sign3A_745 = arith.constant 0 : i32
          %sign3A_746 = arith.cmpi slt, %jit3A_733, %sign3A_745 : i32
          %sign3A_747 = arith.extui %sign3A_746 : i1 to i32
          %sign3A_748 = arith.subi %sign3A_744, %sign3A_747 : i32
          %ne3A_749 = arith.cmpi ne, %sign3A_741, %sign3A_748 : i32
          %rem3A_750 = arith.remsi %mul3A_243, %jit3A_733 : i32
          %ne3A_751 = arith.constant 0 : i32
          %ne3A_752 = arith.cmpi ne, %rem3A_750, %ne3A_751 : i32
          %and3A_753 = arith.andi %ne3A_749, %ne3A_752 : i1
          %sub3A_754 = arith.constant 1 : i32
          %sub3A_755 = arith.subi %div3A_734, %sub3A_754 : i32
          %select_n3A_756 = arith.select %and3A_753, %sub3A_755, %div3A_734 : i32
          %shift_right_arithmetic3A_757 = arith.constant 1 : i32
          %shift_right_arithmetic3A_758 = vector.broadcast %shift_right_arithmetic3A_757 : i32 to vector<16xi32>
          %shift_right_arithmetic3A_759 = arith.shrsi %and3A_728, %shift_right_arithmetic3A_758 : vector<16xi32>
          %add3A_760 = vector.broadcast %select_n3A_756 : i32 to vector<16xi32>
          %add3A_761 = arith.addi %add3A_760, %shift_right_arithmetic3A_759 : vector<16xi32>
          %mul3A_762 = arith.constant 64 : i32
          %mul3A_763 = vector.broadcast %mul3A_762 : i32 to vector<16xi32>
          %mul3A_764 = arith.muli %get3A_220, %mul3A_763 : vector<16xi32>
          %add3A_765 = arith.addi %mul3A_764, %add3A_761 : vector<16xi32>
          %gather3A_766 = tpu.vector_load_idx %arg17[%add3A_765] : memref<32768xi32, #tpu.memory_space<vmem>>[vector<16xi32>], vector<16xi32>,
          %bitcast3A_767 = vector.bitcast %gather3A_766 : vector<16xi32> to vector<32xbf16>
          %unpack3A_768 = tpu.unpack_subelements %bitcast3A_767, 0 {pack_format = #tpu.pack_format<interleaved>} : vector<32xbf16> -> vector<16xf32>
          %unpack3A_769 = tpu.unpack_subelements %bitcast3A_767, 1 {pack_format = #tpu.pack_format<interleaved>} : vector<32xbf16> -> vector<16xf32>
          %add3A_770 = arith.constant 7 : i32
          %add3A_771 = vector.broadcast %add3A_770 : i32 to vector<16xi32>
          %add3A_772 = arith.addi %iota3A, %add3A_771 : vector<16xi32>
          %and3A_773 = arith.constant 1 : i32
          %and3A_774 = vector.broadcast %and3A_773 : i32 to vector<16xi32>
          %and3A_775 = arith.andi %add3A_772, %and3A_774 : vector<16xi32>
          %eq3A_776 = arith.constant 1 : i32
          %eq3A_777 = vector.broadcast %eq3A_776 : i32 to vector<16xi32>
          %eq3A_778 = arith.cmpi eq, %and3A_775, %eq3A_777 : vector<16xi32>
          %select_n3A_779 = arith.select %eq3A_778, %unpack3A_769, %unpack3A_768 : vector<16xi1>, vector<16xf32>
          %add3A_780 = arith.constant 7 : i32
          %add3A_781 = arith.addi %mul3A_243, %add3A_780 : i32
          %mul3A_782 = arith.constant 16 : i32
          %mul3A_783 = arith.muli %add3A_781, %mul3A_782 : i32
          %get3A_784 = arith.index_cast %mul3A_783 : i32 to index
          %get3A_785 = tpu.vector_load %arg22[%get3A_784] {strides = array<i32>} : memref<2048xf32, #tpu.memory_space<vmem>>, vector<16xf32>,
          %add3A_786 = arith.addf %gather3A_731, %gather3A_732 : vector<16xf32>
          %add3A_787 = arith.addf %add3A_786, %select_n3A_779 : vector<16xf32>
          %max3A_788 = arith.constant 0.000000e+00 : f32
          %max3A_789 = vector.broadcast %max3A_788 : f32 to vector<16xf32>
          %max3A_790 = arith.maximumf %add3A_787, %max3A_789 : vector<16xf32>
          %mul3A_791 = arith.mulf %max3A_790, %get3A_785 : vector<16xf32>
          %add3A_792 = arith.addf %add3A_722, %mul3A_791 : vector<16xf32>
          %add3A_793 = arith.constant 8 : i32
          %add3A_794 = vector.broadcast %add3A_793 : i32 to vector<16xi32>
          %add3A_795 = arith.addi %iota3A, %add3A_794 : vector<16xi32>
          %and3A_796 = arith.constant 15 : i32
          %and3A_797 = vector.broadcast %and3A_796 : i32 to vector<16xi32>
          %and3A_798 = arith.andi %add3A_795, %and3A_797 : vector<16xi32>
          %add3A_799 = vector.broadcast %mul3A_243 : i32 to vector<16xi32>
          %add3A_800 = arith.addi %add3A_799, %and3A_798 : vector<16xi32>
          %gather3A_801 = tpu.vector_load_idx %arg15[%add3A_215, %add3A_800] : memref<256x128xf32, #tpu.memory_space<vmem>>[vector<16xi32>, vector<16xi32>], vector<16xf32>,
          %gather3A_802 = tpu.vector_load_idx %arg16[%add3A_215, %add3A_800] : memref<256x128xf32, #tpu.memory_space<vmem>>[vector<16xi32>, vector<16xi32>], vector<16xf32>,
          %jit3A_803 = arith.constant 2 : i32
          %div3A_804 = arith.divsi %mul3A_243, %jit3A_803 : i32
          %sign3A_805 = arith.constant 0 : i32
          %sign3A_806 = arith.cmpi sgt, %mul3A_243, %sign3A_805 : i32
          %sign3A_807 = arith.extui %sign3A_806 : i1 to i32
          %sign3A_808 = arith.constant 0 : i32
          %sign3A_809 = arith.cmpi slt, %mul3A_243, %sign3A_808 : i32
          %sign3A_810 = arith.extui %sign3A_809 : i1 to i32
          %sign3A_811 = arith.subi %sign3A_807, %sign3A_810 : i32
          %sign3A_812 = arith.constant 0 : i32
          %sign3A_813 = arith.cmpi sgt, %jit3A_803, %sign3A_812 : i32
          %sign3A_814 = arith.extui %sign3A_813 : i1 to i32
          %sign3A_815 = arith.constant 0 : i32
          %sign3A_816 = arith.cmpi slt, %jit3A_803, %sign3A_815 : i32
          %sign3A_817 = arith.extui %sign3A_816 : i1 to i32
          %sign3A_818 = arith.subi %sign3A_814, %sign3A_817 : i32
          %ne3A_819 = arith.cmpi ne, %sign3A_811, %sign3A_818 : i32
          %rem3A_820 = arith.remsi %mul3A_243, %jit3A_803 : i32
          %ne3A_821 = arith.constant 0 : i32
          %ne3A_822 = arith.cmpi ne, %rem3A_820, %ne3A_821 : i32
          %and3A_823 = arith.andi %ne3A_819, %ne3A_822 : i1
          %sub3A_824 = arith.constant 1 : i32
          %sub3A_825 = arith.subi %div3A_804, %sub3A_824 : i32
          %select_n3A_826 = arith.select %and3A_823, %sub3A_825, %div3A_804 : i32
          %shift_right_arithmetic3A_827 = arith.constant 1 : i32
          %shift_right_arithmetic3A_828 = vector.broadcast %shift_right_arithmetic3A_827 : i32 to vector<16xi32>
          %shift_right_arithmetic3A_829 = arith.shrsi %and3A_798, %shift_right_arithmetic3A_828 : vector<16xi32>
          %add3A_830 = vector.broadcast %select_n3A_826 : i32 to vector<16xi32>
          %add3A_831 = arith.addi %add3A_830, %shift_right_arithmetic3A_829 : vector<16xi32>
          %mul3A_832 = arith.constant 64 : i32
          %mul3A_833 = vector.broadcast %mul3A_832 : i32 to vector<16xi32>
          %mul3A_834 = arith.muli %get3A_220, %mul3A_833 : vector<16xi32>
          %add3A_835 = arith.addi %mul3A_834, %add3A_831 : vector<16xi32>
          %gather3A_836 = tpu.vector_load_idx %arg17[%add3A_835] : memref<32768xi32, #tpu.memory_space<vmem>>[vector<16xi32>], vector<16xi32>,
          %bitcast3A_837 = vector.bitcast %gather3A_836 : vector<16xi32> to vector<32xbf16>
          %unpack3A_838 = tpu.unpack_subelements %bitcast3A_837, 0 {pack_format = #tpu.pack_format<interleaved>} : vector<32xbf16> -> vector<16xf32>
          %unpack3A_839 = tpu.unpack_subelements %bitcast3A_837, 1 {pack_format = #tpu.pack_format<interleaved>} : vector<32xbf16> -> vector<16xf32>
          %add3A_840 = arith.constant 8 : i32
          %add3A_841 = vector.broadcast %add3A_840 : i32 to vector<16xi32>
          %add3A_842 = arith.addi %iota3A, %add3A_841 : vector<16xi32>
          %and3A_843 = arith.constant 1 : i32
          %and3A_844 = vector.broadcast %and3A_843 : i32 to vector<16xi32>
          %and3A_845 = arith.andi %add3A_842, %and3A_844 : vector<16xi32>
          %eq3A_846 = arith.constant 1 : i32
          %eq3A_847 = vector.broadcast %eq3A_846 : i32 to vector<16xi32>
          %eq3A_848 = arith.cmpi eq, %and3A_845, %eq3A_847 : vector<16xi32>
          %select_n3A_849 = arith.select %eq3A_848, %unpack3A_839, %unpack3A_838 : vector<16xi1>, vector<16xf32>
          %add3A_850 = arith.constant 8 : i32
          %add3A_851 = arith.addi %mul3A_243, %add3A_850 : i32
          %mul3A_852 = arith.constant 16 : i32
          %mul3A_853 = arith.muli %add3A_851, %mul3A_852 : i32
          %get3A_854 = arith.index_cast %mul3A_853 : i32 to index
          %get3A_855 = tpu.vector_load %arg22[%get3A_854] {strides = array<i32>} : memref<2048xf32, #tpu.memory_space<vmem>>, vector<16xf32>,
          %add3A_856 = arith.addf %gather3A_801, %gather3A_802 : vector<16xf32>
          %add3A_857 = arith.addf %add3A_856, %select_n3A_849 : vector<16xf32>
          %max3A_858 = arith.constant 0.000000e+00 : f32
          %max3A_859 = vector.broadcast %max3A_858 : f32 to vector<16xf32>
          %max3A_860 = arith.maximumf %add3A_857, %max3A_859 : vector<16xf32>
          %mul3A_861 = arith.mulf %max3A_860, %get3A_855 : vector<16xf32>
          %add3A_862 = arith.addf %add3A_792, %mul3A_861 : vector<16xf32>
          %add3A_863 = arith.constant 9 : i32
          %add3A_864 = vector.broadcast %add3A_863 : i32 to vector<16xi32>
          %add3A_865 = arith.addi %iota3A, %add3A_864 : vector<16xi32>
          %and3A_866 = arith.constant 15 : i32
          %and3A_867 = vector.broadcast %and3A_866 : i32 to vector<16xi32>
          %and3A_868 = arith.andi %add3A_865, %and3A_867 : vector<16xi32>
          %add3A_869 = vector.broadcast %mul3A_243 : i32 to vector<16xi32>
          %add3A_870 = arith.addi %add3A_869, %and3A_868 : vector<16xi32>
          %gather3A_871 = tpu.vector_load_idx %arg15[%add3A_215, %add3A_870] : memref<256x128xf32, #tpu.memory_space<vmem>>[vector<16xi32>, vector<16xi32>], vector<16xf32>,
          %gather3A_872 = tpu.vector_load_idx %arg16[%add3A_215, %add3A_870] : memref<256x128xf32, #tpu.memory_space<vmem>>[vector<16xi32>, vector<16xi32>], vector<16xf32>,
          %jit3A_873 = arith.constant 2 : i32
          %div3A_874 = arith.divsi %mul3A_243, %jit3A_873 : i32
          %sign3A_875 = arith.constant 0 : i32
          %sign3A_876 = arith.cmpi sgt, %mul3A_243, %sign3A_875 : i32
          %sign3A_877 = arith.extui %sign3A_876 : i1 to i32
          %sign3A_878 = arith.constant 0 : i32
          %sign3A_879 = arith.cmpi slt, %mul3A_243, %sign3A_878 : i32
          %sign3A_880 = arith.extui %sign3A_879 : i1 to i32
          %sign3A_881 = arith.subi %sign3A_877, %sign3A_880 : i32
          %sign3A_882 = arith.constant 0 : i32
          %sign3A_883 = arith.cmpi sgt, %jit3A_873, %sign3A_882 : i32
          %sign3A_884 = arith.extui %sign3A_883 : i1 to i32
          %sign3A_885 = arith.constant 0 : i32
          %sign3A_886 = arith.cmpi slt, %jit3A_873, %sign3A_885 : i32
          %sign3A_887 = arith.extui %sign3A_886 : i1 to i32
          %sign3A_888 = arith.subi %sign3A_884, %sign3A_887 : i32
          %ne3A_889 = arith.cmpi ne, %sign3A_881, %sign3A_888 : i32
          %rem3A_890 = arith.remsi %mul3A_243, %jit3A_873 : i32
          %ne3A_891 = arith.constant 0 : i32
          %ne3A_892 = arith.cmpi ne, %rem3A_890, %ne3A_891 : i32
          %and3A_893 = arith.andi %ne3A_889, %ne3A_892 : i1
          %sub3A_894 = arith.constant 1 : i32
          %sub3A_895 = arith.subi %div3A_874, %sub3A_894 : i32
          %select_n3A_896 = arith.select %and3A_893, %sub3A_895, %div3A_874 : i32
          %shift_right_arithmetic3A_897 = arith.constant 1 : i32
          %shift_right_arithmetic3A_898 = vector.broadcast %shift_right_arithmetic3A_897 : i32 to vector<16xi32>
          %shift_right_arithmetic3A_899 = arith.shrsi %and3A_868, %shift_right_arithmetic3A_898 : vector<16xi32>
          %add3A_900 = vector.broadcast %select_n3A_896 : i32 to vector<16xi32>
          %add3A_901 = arith.addi %add3A_900, %shift_right_arithmetic3A_899 : vector<16xi32>
          %mul3A_902 = arith.constant 64 : i32
          %mul3A_903 = vector.broadcast %mul3A_902 : i32 to vector<16xi32>
          %mul3A_904 = arith.muli %get3A_220, %mul3A_903 : vector<16xi32>
          %add3A_905 = arith.addi %mul3A_904, %add3A_901 : vector<16xi32>
          %gather3A_906 = tpu.vector_load_idx %arg17[%add3A_905] : memref<32768xi32, #tpu.memory_space<vmem>>[vector<16xi32>], vector<16xi32>,
          %bitcast3A_907 = vector.bitcast %gather3A_906 : vector<16xi32> to vector<32xbf16>
          %unpack3A_908 = tpu.unpack_subelements %bitcast3A_907, 0 {pack_format = #tpu.pack_format<interleaved>} : vector<32xbf16> -> vector<16xf32>
          %unpack3A_909 = tpu.unpack_subelements %bitcast3A_907, 1 {pack_format = #tpu.pack_format<interleaved>} : vector<32xbf16> -> vector<16xf32>
          %add3A_910 = arith.constant 9 : i32
          %add3A_911 = vector.broadcast %add3A_910 : i32 to vector<16xi32>
          %add3A_912 = arith.addi %iota3A, %add3A_911 : vector<16xi32>
          %and3A_913 = arith.constant 1 : i32
          %and3A_914 = vector.broadcast %and3A_913 : i32 to vector<16xi32>
          %and3A_915 = arith.andi %add3A_912, %and3A_914 : vector<16xi32>
          %eq3A_916 = arith.constant 1 : i32
          %eq3A_917 = vector.broadcast %eq3A_916 : i32 to vector<16xi32>
          %eq3A_918 = arith.cmpi eq, %and3A_915, %eq3A_917 : vector<16xi32>
          %select_n3A_919 = arith.select %eq3A_918, %unpack3A_909, %unpack3A_908 : vector<16xi1>, vector<16xf32>
          %add3A_920 = arith.constant 9 : i32
          %add3A_921 = arith.addi %mul3A_243, %add3A_920 : i32
          %mul3A_922 = arith.constant 16 : i32
          %mul3A_923 = arith.muli %add3A_921, %mul3A_922 : i32
          %get3A_924 = arith.index_cast %mul3A_923 : i32 to index
          %get3A_925 = tpu.vector_load %arg22[%get3A_924] {strides = array<i32>} : memref<2048xf32, #tpu.memory_space<vmem>>, vector<16xf32>,
          %add3A_926 = arith.addf %gather3A_871, %gather3A_872 : vector<16xf32>
          %add3A_927 = arith.addf %add3A_926, %select_n3A_919 : vector<16xf32>
          %max3A_928 = arith.constant 0.000000e+00 : f32
          %max3A_929 = vector.broadcast %max3A_928 : f32 to vector<16xf32>
          %max3A_930 = arith.maximumf %add3A_927, %max3A_929 : vector<16xf32>
          %mul3A_931 = arith.mulf %max3A_930, %get3A_925 : vector<16xf32>
          %add3A_932 = arith.addf %add3A_862, %mul3A_931 : vector<16xf32>
          %add3A_933 = arith.constant 10 : i32
          %add3A_934 = vector.broadcast %add3A_933 : i32 to vector<16xi32>
          %add3A_935 = arith.addi %iota3A, %add3A_934 : vector<16xi32>
          %and3A_936 = arith.constant 15 : i32
          %and3A_937 = vector.broadcast %and3A_936 : i32 to vector<16xi32>
          %and3A_938 = arith.andi %add3A_935, %and3A_937 : vector<16xi32>
          %add3A_939 = vector.broadcast %mul3A_243 : i32 to vector<16xi32>
          %add3A_940 = arith.addi %add3A_939, %and3A_938 : vector<16xi32>
          %gather3A_941 = tpu.vector_load_idx %arg15[%add3A_215, %add3A_940] : memref<256x128xf32, #tpu.memory_space<vmem>>[vector<16xi32>, vector<16xi32>], vector<16xf32>,
          %gather3A_942 = tpu.vector_load_idx %arg16[%add3A_215, %add3A_940] : memref<256x128xf32, #tpu.memory_space<vmem>>[vector<16xi32>, vector<16xi32>], vector<16xf32>,
          %jit3A_943 = arith.constant 2 : i32
          %div3A_944 = arith.divsi %mul3A_243, %jit3A_943 : i32
          %sign3A_945 = arith.constant 0 : i32
          %sign3A_946 = arith.cmpi sgt, %mul3A_243, %sign3A_945 : i32
          %sign3A_947 = arith.extui %sign3A_946 : i1 to i32
          %sign3A_948 = arith.constant 0 : i32
          %sign3A_949 = arith.cmpi slt, %mul3A_243, %sign3A_948 : i32
          %sign3A_950 = arith.extui %sign3A_949 : i1 to i32
          %sign3A_951 = arith.subi %sign3A_947, %sign3A_950 : i32
          %sign3A_952 = arith.constant 0 : i32
          %sign3A_953 = arith.cmpi sgt, %jit3A_943, %sign3A_952 : i32
          %sign3A_954 = arith.extui %sign3A_953 : i1 to i32
          %sign3A_955 = arith.constant 0 : i32
          %sign3A_956 = arith.cmpi slt, %jit3A_943, %sign3A_955 : i32
          %sign3A_957 = arith.extui %sign3A_956 : i1 to i32
          %sign3A_958 = arith.subi %sign3A_954, %sign3A_957 : i32
          %ne3A_959 = arith.cmpi ne, %sign3A_951, %sign3A_958 : i32
          %rem3A_960 = arith.remsi %mul3A_243, %jit3A_943 : i32
          %ne3A_961 = arith.constant 0 : i32
          %ne3A_962 = arith.cmpi ne, %rem3A_960, %ne3A_961 : i32
          %and3A_963 = arith.andi %ne3A_959, %ne3A_962 : i1
          %sub3A_964 = arith.constant 1 : i32
          %sub3A_965 = arith.subi %div3A_944, %sub3A_964 : i32
          %select_n3A_966 = arith.select %and3A_963, %sub3A_965, %div3A_944 : i32
          %shift_right_arithmetic3A_967 = arith.constant 1 : i32
          %shift_right_arithmetic3A_968 = vector.broadcast %shift_right_arithmetic3A_967 : i32 to vector<16xi32>
          %shift_right_arithmetic3A_969 = arith.shrsi %and3A_938, %shift_right_arithmetic3A_968 : vector<16xi32>
          %add3A_970 = vector.broadcast %select_n3A_966 : i32 to vector<16xi32>
          %add3A_971 = arith.addi %add3A_970, %shift_right_arithmetic3A_969 : vector<16xi32>
          %mul3A_972 = arith.constant 64 : i32
          %mul3A_973 = vector.broadcast %mul3A_972 : i32 to vector<16xi32>
          %mul3A_974 = arith.muli %get3A_220, %mul3A_973 : vector<16xi32>
          %add3A_975 = arith.addi %mul3A_974, %add3A_971 : vector<16xi32>
          %gather3A_976 = tpu.vector_load_idx %arg17[%add3A_975] : memref<32768xi32, #tpu.memory_space<vmem>>[vector<16xi32>], vector<16xi32>,
          %bitcast3A_977 = vector.bitcast %gather3A_976 : vector<16xi32> to vector<32xbf16>
          %unpack3A_978 = tpu.unpack_subelements %bitcast3A_977, 0 {pack_format = #tpu.pack_format<interleaved>} : vector<32xbf16> -> vector<16xf32>
          %unpack3A_979 = tpu.unpack_subelements %bitcast3A_977, 1 {pack_format = #tpu.pack_format<interleaved>} : vector<32xbf16> -> vector<16xf32>
          %add3A_980 = arith.constant 10 : i32
          %add3A_981 = vector.broadcast %add3A_980 : i32 to vector<16xi32>
          %add3A_982 = arith.addi %iota3A, %add3A_981 : vector<16xi32>
          %and3A_983 = arith.constant 1 : i32
          %and3A_984 = vector.broadcast %and3A_983 : i32 to vector<16xi32>
          %and3A_985 = arith.andi %add3A_982, %and3A_984 : vector<16xi32>
          %eq3A_986 = arith.constant 1 : i32
          %eq3A_987 = vector.broadcast %eq3A_986 : i32 to vector<16xi32>
          %eq3A_988 = arith.cmpi eq, %and3A_985, %eq3A_987 : vector<16xi32>
          %select_n3A_989 = arith.select %eq3A_988, %unpack3A_979, %unpack3A_978 : vector<16xi1>, vector<16xf32>
          %add3A_990 = arith.constant 10 : i32
          %add3A_991 = arith.addi %mul3A_243, %add3A_990 : i32
          %mul3A_992 = arith.constant 16 : i32
          %mul3A_993 = arith.muli %add3A_991, %mul3A_992 : i32
          %get3A_994 = arith.index_cast %mul3A_993 : i32 to index
          %get3A_995 = tpu.vector_load %arg22[%get3A_994] {strides = array<i32>} : memref<2048xf32, #tpu.memory_space<vmem>>, vector<16xf32>,
          %add3A_996 = arith.addf %gather3A_941, %gather3A_942 : vector<16xf32>
          %add3A_997 = arith.addf %add3A_996, %select_n3A_989 : vector<16xf32>
          %max3A_998 = arith.constant 0.000000e+00 : f32
          %max3A_999 = vector.broadcast %max3A_998 : f32 to vector<16xf32>
          %max3A_1000 = arith.maximumf %add3A_997, %max3A_999 : vector<16xf32>
          %mul3A_1001 = arith.mulf %max3A_1000, %get3A_995 : vector<16xf32>
          %add3A_1002 = arith.addf %add3A_932, %mul3A_1001 : vector<16xf32>
          %add3A_1003 = arith.constant 11 : i32
          %add3A_1004 = vector.broadcast %add3A_1003 : i32 to vector<16xi32>
          %add3A_1005 = arith.addi %iota3A, %add3A_1004 : vector<16xi32>
          %and3A_1006 = arith.constant 15 : i32
          %and3A_1007 = vector.broadcast %and3A_1006 : i32 to vector<16xi32>
          %and3A_1008 = arith.andi %add3A_1005, %and3A_1007 : vector<16xi32>
          %add3A_1009 = vector.broadcast %mul3A_243 : i32 to vector<16xi32>
          %add3A_1010 = arith.addi %add3A_1009, %and3A_1008 : vector<16xi32>
          %gather3A_1011 = tpu.vector_load_idx %arg15[%add3A_215, %add3A_1010] : memref<256x128xf32, #tpu.memory_space<vmem>>[vector<16xi32>, vector<16xi32>], vector<16xf32>,
          %gather3A_1012 = tpu.vector_load_idx %arg16[%add3A_215, %add3A_1010] : memref<256x128xf32, #tpu.memory_space<vmem>>[vector<16xi32>, vector<16xi32>], vector<16xf32>,
          %jit3A_1013 = arith.constant 2 : i32
          %div3A_1014 = arith.divsi %mul3A_243, %jit3A_1013 : i32
          %sign3A_1015 = arith.constant 0 : i32
          %sign3A_1016 = arith.cmpi sgt, %mul3A_243, %sign3A_1015 : i32
          %sign3A_1017 = arith.extui %sign3A_1016 : i1 to i32
          %sign3A_1018 = arith.constant 0 : i32
          %sign3A_1019 = arith.cmpi slt, %mul3A_243, %sign3A_1018 : i32
          %sign3A_1020 = arith.extui %sign3A_1019 : i1 to i32
          %sign3A_1021 = arith.subi %sign3A_1017, %sign3A_1020 : i32
          %sign3A_1022 = arith.constant 0 : i32
          %sign3A_1023 = arith.cmpi sgt, %jit3A_1013, %sign3A_1022 : i32
          %sign3A_1024 = arith.extui %sign3A_1023 : i1 to i32
          %sign3A_1025 = arith.constant 0 : i32
          %sign3A_1026 = arith.cmpi slt, %jit3A_1013, %sign3A_1025 : i32
          %sign3A_1027 = arith.extui %sign3A_1026 : i1 to i32
          %sign3A_1028 = arith.subi %sign3A_1024, %sign3A_1027 : i32
          %ne3A_1029 = arith.cmpi ne, %sign3A_1021, %sign3A_1028 : i32
          %rem3A_1030 = arith.remsi %mul3A_243, %jit3A_1013 : i32
          %ne3A_1031 = arith.constant 0 : i32
          %ne3A_1032 = arith.cmpi ne, %rem3A_1030, %ne3A_1031 : i32
          %and3A_1033 = arith.andi %ne3A_1029, %ne3A_1032 : i1
          %sub3A_1034 = arith.constant 1 : i32
          %sub3A_1035 = arith.subi %div3A_1014, %sub3A_1034 : i32
          %select_n3A_1036 = arith.select %and3A_1033, %sub3A_1035, %div3A_1014 : i32
          %shift_right_arithmetic3A_1037 = arith.constant 1 : i32
          %shift_right_arithmetic3A_1038 = vector.broadcast %shift_right_arithmetic3A_1037 : i32 to vector<16xi32>
          %shift_right_arithmetic3A_1039 = arith.shrsi %and3A_1008, %shift_right_arithmetic3A_1038 : vector<16xi32>
          %add3A_1040 = vector.broadcast %select_n3A_1036 : i32 to vector<16xi32>
          %add3A_1041 = arith.addi %add3A_1040, %shift_right_arithmetic3A_1039 : vector<16xi32>
          %mul3A_1042 = arith.constant 64 : i32
          %mul3A_1043 = vector.broadcast %mul3A_1042 : i32 to vector<16xi32>
          %mul3A_1044 = arith.muli %get3A_220, %mul3A_1043 : vector<16xi32>
          %add3A_1045 = arith.addi %mul3A_1044, %add3A_1041 : vector<16xi32>
          %gather3A_1046 = tpu.vector_load_idx %arg17[%add3A_1045] : memref<32768xi32, #tpu.memory_space<vmem>>[vector<16xi32>], vector<16xi32>,
          %bitcast3A_1047 = vector.bitcast %gather3A_1046 : vector<16xi32> to vector<32xbf16>
          %unpack3A_1048 = tpu.unpack_subelements %bitcast3A_1047, 0 {pack_format = #tpu.pack_format<interleaved>} : vector<32xbf16> -> vector<16xf32>
          %unpack3A_1049 = tpu.unpack_subelements %bitcast3A_1047, 1 {pack_format = #tpu.pack_format<interleaved>} : vector<32xbf16> -> vector<16xf32>
          %add3A_1050 = arith.constant 11 : i32
          %add3A_1051 = vector.broadcast %add3A_1050 : i32 to vector<16xi32>
          %add3A_1052 = arith.addi %iota3A, %add3A_1051 : vector<16xi32>
          %and3A_1053 = arith.constant 1 : i32
          %and3A_1054 = vector.broadcast %and3A_1053 : i32 to vector<16xi32>
          %and3A_1055 = arith.andi %add3A_1052, %and3A_1054 : vector<16xi32>
          %eq3A_1056 = arith.constant 1 : i32
          %eq3A_1057 = vector.broadcast %eq3A_1056 : i32 to vector<16xi32>
          %eq3A_1058 = arith.cmpi eq, %and3A_1055, %eq3A_1057 : vector<16xi32>
          %select_n3A_1059 = arith.select %eq3A_1058, %unpack3A_1049, %unpack3A_1048 : vector<16xi1>, vector<16xf32>
          %add3A_1060 = arith.constant 11 : i32
          %add3A_1061 = arith.addi %mul3A_243, %add3A_1060 : i32
          %mul3A_1062 = arith.constant 16 : i32
          %mul3A_1063 = arith.muli %add3A_1061, %mul3A_1062 : i32
          %get3A_1064 = arith.index_cast %mul3A_1063 : i32 to index
          %get3A_1065 = tpu.vector_load %arg22[%get3A_1064] {strides = array<i32>} : memref<2048xf32, #tpu.memory_space<vmem>>, vector<16xf32>,
          %add3A_1066 = arith.addf %gather3A_1011, %gather3A_1012 : vector<16xf32>
          %add3A_1067 = arith.addf %add3A_1066, %select_n3A_1059 : vector<16xf32>
          %max3A_1068 = arith.constant 0.000000e+00 : f32
          %max3A_1069 = vector.broadcast %max3A_1068 : f32 to vector<16xf32>
          %max3A_1070 = arith.maximumf %add3A_1067, %max3A_1069 : vector<16xf32>
          %mul3A_1071 = arith.mulf %max3A_1070, %get3A_1065 : vector<16xf32>
          %add3A_1072 = arith.addf %add3A_1002, %mul3A_1071 : vector<16xf32>
          %add3A_1073 = arith.constant 12 : i32
          %add3A_1074 = vector.broadcast %add3A_1073 : i32 to vector<16xi32>
          %add3A_1075 = arith.addi %iota3A, %add3A_1074 : vector<16xi32>
          %and3A_1076 = arith.constant 15 : i32
          %and3A_1077 = vector.broadcast %and3A_1076 : i32 to vector<16xi32>
          %and3A_1078 = arith.andi %add3A_1075, %and3A_1077 : vector<16xi32>
          %add3A_1079 = vector.broadcast %mul3A_243 : i32 to vector<16xi32>
          %add3A_1080 = arith.addi %add3A_1079, %and3A_1078 : vector<16xi32>
          %gather3A_1081 = tpu.vector_load_idx %arg15[%add3A_215, %add3A_1080] : memref<256x128xf32, #tpu.memory_space<vmem>>[vector<16xi32>, vector<16xi32>], vector<16xf32>,
          %gather3A_1082 = tpu.vector_load_idx %arg16[%add3A_215, %add3A_1080] : memref<256x128xf32, #tpu.memory_space<vmem>>[vector<16xi32>, vector<16xi32>], vector<16xf32>,
          %jit3A_1083 = arith.constant 2 : i32
          %div3A_1084 = arith.divsi %mul3A_243, %jit3A_1083 : i32
          %sign3A_1085 = arith.constant 0 : i32
          %sign3A_1086 = arith.cmpi sgt, %mul3A_243, %sign3A_1085 : i32
          %sign3A_1087 = arith.extui %sign3A_1086 : i1 to i32
          %sign3A_1088 = arith.constant 0 : i32
          %sign3A_1089 = arith.cmpi slt, %mul3A_243, %sign3A_1088 : i32
          %sign3A_1090 = arith.extui %sign3A_1089 : i1 to i32
          %sign3A_1091 = arith.subi %sign3A_1087, %sign3A_1090 : i32
          %sign3A_1092 = arith.constant 0 : i32
          %sign3A_1093 = arith.cmpi sgt, %jit3A_1083, %sign3A_1092 : i32
          %sign3A_1094 = arith.extui %sign3A_1093 : i1 to i32
          %sign3A_1095 = arith.constant 0 : i32
          %sign3A_1096 = arith.cmpi slt, %jit3A_1083, %sign3A_1095 : i32
          %sign3A_1097 = arith.extui %sign3A_1096 : i1 to i32
          %sign3A_1098 = arith.subi %sign3A_1094, %sign3A_1097 : i32
          %ne3A_1099 = arith.cmpi ne, %sign3A_1091, %sign3A_1098 : i32
          %rem3A_1100 = arith.remsi %mul3A_243, %jit3A_1083 : i32
          %ne3A_1101 = arith.constant 0 : i32
          %ne3A_1102 = arith.cmpi ne, %rem3A_1100, %ne3A_1101 : i32
          %and3A_1103 = arith.andi %ne3A_1099, %ne3A_1102 : i1
          %sub3A_1104 = arith.constant 1 : i32
          %sub3A_1105 = arith.subi %div3A_1084, %sub3A_1104 : i32
          %select_n3A_1106 = arith.select %and3A_1103, %sub3A_1105, %div3A_1084 : i32
          %shift_right_arithmetic3A_1107 = arith.constant 1 : i32
          %shift_right_arithmetic3A_1108 = vector.broadcast %shift_right_arithmetic3A_1107 : i32 to vector<16xi32>
          %shift_right_arithmetic3A_1109 = arith.shrsi %and3A_1078, %shift_right_arithmetic3A_1108 : vector<16xi32>
          %add3A_1110 = vector.broadcast %select_n3A_1106 : i32 to vector<16xi32>
          %add3A_1111 = arith.addi %add3A_1110, %shift_right_arithmetic3A_1109 : vector<16xi32>
          %mul3A_1112 = arith.constant 64 : i32
          %mul3A_1113 = vector.broadcast %mul3A_1112 : i32 to vector<16xi32>
          %mul3A_1114 = arith.muli %get3A_220, %mul3A_1113 : vector<16xi32>
          %add3A_1115 = arith.addi %mul3A_1114, %add3A_1111 : vector<16xi32>
          %gather3A_1116 = tpu.vector_load_idx %arg17[%add3A_1115] : memref<32768xi32, #tpu.memory_space<vmem>>[vector<16xi32>], vector<16xi32>,
          %bitcast3A_1117 = vector.bitcast %gather3A_1116 : vector<16xi32> to vector<32xbf16>
          %unpack3A_1118 = tpu.unpack_subelements %bitcast3A_1117, 0 {pack_format = #tpu.pack_format<interleaved>} : vector<32xbf16> -> vector<16xf32>
          %unpack3A_1119 = tpu.unpack_subelements %bitcast3A_1117, 1 {pack_format = #tpu.pack_format<interleaved>} : vector<32xbf16> -> vector<16xf32>
          %add3A_1120 = arith.constant 12 : i32
          %add3A_1121 = vector.broadcast %add3A_1120 : i32 to vector<16xi32>
          %add3A_1122 = arith.addi %iota3A, %add3A_1121 : vector<16xi32>
          %and3A_1123 = arith.constant 1 : i32
          %and3A_1124 = vector.broadcast %and3A_1123 : i32 to vector<16xi32>
          %and3A_1125 = arith.andi %add3A_1122, %and3A_1124 : vector<16xi32>
          %eq3A_1126 = arith.constant 1 : i32
          %eq3A_1127 = vector.broadcast %eq3A_1126 : i32 to vector<16xi32>
          %eq3A_1128 = arith.cmpi eq, %and3A_1125, %eq3A_1127 : vector<16xi32>
          %select_n3A_1129 = arith.select %eq3A_1128, %unpack3A_1119, %unpack3A_1118 : vector<16xi1>, vector<16xf32>
          %add3A_1130 = arith.constant 12 : i32
          %add3A_1131 = arith.addi %mul3A_243, %add3A_1130 : i32
          %mul3A_1132 = arith.constant 16 : i32
          %mul3A_1133 = arith.muli %add3A_1131, %mul3A_1132 : i32
          %get3A_1134 = arith.index_cast %mul3A_1133 : i32 to index
          %get3A_1135 = tpu.vector_load %arg22[%get3A_1134] {strides = array<i32>} : memref<2048xf32, #tpu.memory_space<vmem>>, vector<16xf32>,
          %add3A_1136 = arith.addf %gather3A_1081, %gather3A_1082 : vector<16xf32>
          %add3A_1137 = arith.addf %add3A_1136, %select_n3A_1129 : vector<16xf32>
          %max3A_1138 = arith.constant 0.000000e+00 : f32
          %max3A_1139 = vector.broadcast %max3A_1138 : f32 to vector<16xf32>
          %max3A_1140 = arith.maximumf %add3A_1137, %max3A_1139 : vector<16xf32>
          %mul3A_1141 = arith.mulf %max3A_1140, %get3A_1135 : vector<16xf32>
          %add3A_1142 = arith.addf %add3A_1072, %mul3A_1141 : vector<16xf32>
          %add3A_1143 = arith.constant 13 : i32
          %add3A_1144 = vector.broadcast %add3A_1143 : i32 to vector<16xi32>
          %add3A_1145 = arith.addi %iota3A, %add3A_1144 : vector<16xi32>
          %and3A_1146 = arith.constant 15 : i32
          %and3A_1147 = vector.broadcast %and3A_1146 : i32 to vector<16xi32>
          %and3A_1148 = arith.andi %add3A_1145, %and3A_1147 : vector<16xi32>
          %add3A_1149 = vector.broadcast %mul3A_243 : i32 to vector<16xi32>
          %add3A_1150 = arith.addi %add3A_1149, %and3A_1148 : vector<16xi32>
          %gather3A_1151 = tpu.vector_load_idx %arg15[%add3A_215, %add3A_1150] : memref<256x128xf32, #tpu.memory_space<vmem>>[vector<16xi32>, vector<16xi32>], vector<16xf32>,
          %gather3A_1152 = tpu.vector_load_idx %arg16[%add3A_215, %add3A_1150] : memref<256x128xf32, #tpu.memory_space<vmem>>[vector<16xi32>, vector<16xi32>], vector<16xf32>,
          %jit3A_1153 = arith.constant 2 : i32
          %div3A_1154 = arith.divsi %mul3A_243, %jit3A_1153 : i32
          %sign3A_1155 = arith.constant 0 : i32
          %sign3A_1156 = arith.cmpi sgt, %mul3A_243, %sign3A_1155 : i32
          %sign3A_1157 = arith.extui %sign3A_1156 : i1 to i32
          %sign3A_1158 = arith.constant 0 : i32
          %sign3A_1159 = arith.cmpi slt, %mul3A_243, %sign3A_1158 : i32
          %sign3A_1160 = arith.extui %sign3A_1159 : i1 to i32
          %sign3A_1161 = arith.subi %sign3A_1157, %sign3A_1160 : i32
          %sign3A_1162 = arith.constant 0 : i32
          %sign3A_1163 = arith.cmpi sgt, %jit3A_1153, %sign3A_1162 : i32
          %sign3A_1164 = arith.extui %sign3A_1163 : i1 to i32
          %sign3A_1165 = arith.constant 0 : i32
          %sign3A_1166 = arith.cmpi slt, %jit3A_1153, %sign3A_1165 : i32
          %sign3A_1167 = arith.extui %sign3A_1166 : i1 to i32
          %sign3A_1168 = arith.subi %sign3A_1164, %sign3A_1167 : i32
          %ne3A_1169 = arith.cmpi ne, %sign3A_1161, %sign3A_1168 : i32
          %rem3A_1170 = arith.remsi %mul3A_243, %jit3A_1153 : i32
          %ne3A_1171 = arith.constant 0 : i32
          %ne3A_1172 = arith.cmpi ne, %rem3A_1170, %ne3A_1171 : i32
          %and3A_1173 = arith.andi %ne3A_1169, %ne3A_1172 : i1
          %sub3A_1174 = arith.constant 1 : i32
          %sub3A_1175 = arith.subi %div3A_1154, %sub3A_1174 : i32
          %select_n3A_1176 = arith.select %and3A_1173, %sub3A_1175, %div3A_1154 : i32
          %shift_right_arithmetic3A_1177 = arith.constant 1 : i32
          %shift_right_arithmetic3A_1178 = vector.broadcast %shift_right_arithmetic3A_1177 : i32 to vector<16xi32>
          %shift_right_arithmetic3A_1179 = arith.shrsi %and3A_1148, %shift_right_arithmetic3A_1178 : vector<16xi32>
          %add3A_1180 = vector.broadcast %select_n3A_1176 : i32 to vector<16xi32>
          %add3A_1181 = arith.addi %add3A_1180, %shift_right_arithmetic3A_1179 : vector<16xi32>
          %mul3A_1182 = arith.constant 64 : i32
          %mul3A_1183 = vector.broadcast %mul3A_1182 : i32 to vector<16xi32>
          %mul3A_1184 = arith.muli %get3A_220, %mul3A_1183 : vector<16xi32>
          %add3A_1185 = arith.addi %mul3A_1184, %add3A_1181 : vector<16xi32>
          %gather3A_1186 = tpu.vector_load_idx %arg17[%add3A_1185] : memref<32768xi32, #tpu.memory_space<vmem>>[vector<16xi32>], vector<16xi32>,
          %bitcast3A_1187 = vector.bitcast %gather3A_1186 : vector<16xi32> to vector<32xbf16>
          %unpack3A_1188 = tpu.unpack_subelements %bitcast3A_1187, 0 {pack_format = #tpu.pack_format<interleaved>} : vector<32xbf16> -> vector<16xf32>
          %unpack3A_1189 = tpu.unpack_subelements %bitcast3A_1187, 1 {pack_format = #tpu.pack_format<interleaved>} : vector<32xbf16> -> vector<16xf32>
          %add3A_1190 = arith.constant 13 : i32
          %add3A_1191 = vector.broadcast %add3A_1190 : i32 to vector<16xi32>
          %add3A_1192 = arith.addi %iota3A, %add3A_1191 : vector<16xi32>
          %and3A_1193 = arith.constant 1 : i32
          %and3A_1194 = vector.broadcast %and3A_1193 : i32 to vector<16xi32>
          %and3A_1195 = arith.andi %add3A_1192, %and3A_1194 : vector<16xi32>
          %eq3A_1196 = arith.constant 1 : i32
          %eq3A_1197 = vector.broadcast %eq3A_1196 : i32 to vector<16xi32>
          %eq3A_1198 = arith.cmpi eq, %and3A_1195, %eq3A_1197 : vector<16xi32>
          %select_n3A_1199 = arith.select %eq3A_1198, %unpack3A_1189, %unpack3A_1188 : vector<16xi1>, vector<16xf32>
          %add3A_1200 = arith.constant 13 : i32
          %add3A_1201 = arith.addi %mul3A_243, %add3A_1200 : i32
          %mul3A_1202 = arith.constant 16 : i32
          %mul3A_1203 = arith.muli %add3A_1201, %mul3A_1202 : i32
          %get3A_1204 = arith.index_cast %mul3A_1203 : i32 to index
          %get3A_1205 = tpu.vector_load %arg22[%get3A_1204] {strides = array<i32>} : memref<2048xf32, #tpu.memory_space<vmem>>, vector<16xf32>,
          %add3A_1206 = arith.addf %gather3A_1151, %gather3A_1152 : vector<16xf32>
          %add3A_1207 = arith.addf %add3A_1206, %select_n3A_1199 : vector<16xf32>
          %max3A_1208 = arith.constant 0.000000e+00 : f32
          %max3A_1209 = vector.broadcast %max3A_1208 : f32 to vector<16xf32>
          %max3A_1210 = arith.maximumf %add3A_1207, %max3A_1209 : vector<16xf32>
          %mul3A_1211 = arith.mulf %max3A_1210, %get3A_1205 : vector<16xf32>
          %add3A_1212 = arith.addf %add3A_1142, %mul3A_1211 : vector<16xf32>
          %add3A_1213 = arith.constant 14 : i32
          %add3A_1214 = vector.broadcast %add3A_1213 : i32 to vector<16xi32>
          %add3A_1215 = arith.addi %iota3A, %add3A_1214 : vector<16xi32>
          %and3A_1216 = arith.constant 15 : i32
          %and3A_1217 = vector.broadcast %and3A_1216 : i32 to vector<16xi32>
          %and3A_1218 = arith.andi %add3A_1215, %and3A_1217 : vector<16xi32>
          %add3A_1219 = vector.broadcast %mul3A_243 : i32 to vector<16xi32>
          %add3A_1220 = arith.addi %add3A_1219, %and3A_1218 : vector<16xi32>
          %gather3A_1221 = tpu.vector_load_idx %arg15[%add3A_215, %add3A_1220] : memref<256x128xf32, #tpu.memory_space<vmem>>[vector<16xi32>, vector<16xi32>], vector<16xf32>,
          %gather3A_1222 = tpu.vector_load_idx %arg16[%add3A_215, %add3A_1220] : memref<256x128xf32, #tpu.memory_space<vmem>>[vector<16xi32>, vector<16xi32>], vector<16xf32>,
          %jit3A_1223 = arith.constant 2 : i32
          %div3A_1224 = arith.divsi %mul3A_243, %jit3A_1223 : i32
          %sign3A_1225 = arith.constant 0 : i32
          %sign3A_1226 = arith.cmpi sgt, %mul3A_243, %sign3A_1225 : i32
          %sign3A_1227 = arith.extui %sign3A_1226 : i1 to i32
          %sign3A_1228 = arith.constant 0 : i32
          %sign3A_1229 = arith.cmpi slt, %mul3A_243, %sign3A_1228 : i32
          %sign3A_1230 = arith.extui %sign3A_1229 : i1 to i32
          %sign3A_1231 = arith.subi %sign3A_1227, %sign3A_1230 : i32
          %sign3A_1232 = arith.constant 0 : i32
          %sign3A_1233 = arith.cmpi sgt, %jit3A_1223, %sign3A_1232 : i32
          %sign3A_1234 = arith.extui %sign3A_1233 : i1 to i32
          %sign3A_1235 = arith.constant 0 : i32
          %sign3A_1236 = arith.cmpi slt, %jit3A_1223, %sign3A_1235 : i32
          %sign3A_1237 = arith.extui %sign3A_1236 : i1 to i32
          %sign3A_1238 = arith.subi %sign3A_1234, %sign3A_1237 : i32
          %ne3A_1239 = arith.cmpi ne, %sign3A_1231, %sign3A_1238 : i32
          %rem3A_1240 = arith.remsi %mul3A_243, %jit3A_1223 : i32
          %ne3A_1241 = arith.constant 0 : i32
          %ne3A_1242 = arith.cmpi ne, %rem3A_1240, %ne3A_1241 : i32
          %and3A_1243 = arith.andi %ne3A_1239, %ne3A_1242 : i1
          %sub3A_1244 = arith.constant 1 : i32
          %sub3A_1245 = arith.subi %div3A_1224, %sub3A_1244 : i32
          %select_n3A_1246 = arith.select %and3A_1243, %sub3A_1245, %div3A_1224 : i32
          %shift_right_arithmetic3A_1247 = arith.constant 1 : i32
          %shift_right_arithmetic3A_1248 = vector.broadcast %shift_right_arithmetic3A_1247 : i32 to vector<16xi32>
          %shift_right_arithmetic3A_1249 = arith.shrsi %and3A_1218, %shift_right_arithmetic3A_1248 : vector<16xi32>
          %add3A_1250 = vector.broadcast %select_n3A_1246 : i32 to vector<16xi32>
          %add3A_1251 = arith.addi %add3A_1250, %shift_right_arithmetic3A_1249 : vector<16xi32>
          %mul3A_1252 = arith.constant 64 : i32
          %mul3A_1253 = vector.broadcast %mul3A_1252 : i32 to vector<16xi32>
          %mul3A_1254 = arith.muli %get3A_220, %mul3A_1253 : vector<16xi32>
          %add3A_1255 = arith.addi %mul3A_1254, %add3A_1251 : vector<16xi32>
          %gather3A_1256 = tpu.vector_load_idx %arg17[%add3A_1255] : memref<32768xi32, #tpu.memory_space<vmem>>[vector<16xi32>], vector<16xi32>,
          %bitcast3A_1257 = vector.bitcast %gather3A_1256 : vector<16xi32> to vector<32xbf16>
          %unpack3A_1258 = tpu.unpack_subelements %bitcast3A_1257, 0 {pack_format = #tpu.pack_format<interleaved>} : vector<32xbf16> -> vector<16xf32>
          %unpack3A_1259 = tpu.unpack_subelements %bitcast3A_1257, 1 {pack_format = #tpu.pack_format<interleaved>} : vector<32xbf16> -> vector<16xf32>
          %add3A_1260 = arith.constant 14 : i32
          %add3A_1261 = vector.broadcast %add3A_1260 : i32 to vector<16xi32>
          %add3A_1262 = arith.addi %iota3A, %add3A_1261 : vector<16xi32>
          %and3A_1263 = arith.constant 1 : i32
          %and3A_1264 = vector.broadcast %and3A_1263 : i32 to vector<16xi32>
          %and3A_1265 = arith.andi %add3A_1262, %and3A_1264 : vector<16xi32>
          %eq3A_1266 = arith.constant 1 : i32
          %eq3A_1267 = vector.broadcast %eq3A_1266 : i32 to vector<16xi32>
          %eq3A_1268 = arith.cmpi eq, %and3A_1265, %eq3A_1267 : vector<16xi32>
          %select_n3A_1269 = arith.select %eq3A_1268, %unpack3A_1259, %unpack3A_1258 : vector<16xi1>, vector<16xf32>
          %add3A_1270 = arith.constant 14 : i32
          %add3A_1271 = arith.addi %mul3A_243, %add3A_1270 : i32
          %mul3A_1272 = arith.constant 16 : i32
          %mul3A_1273 = arith.muli %add3A_1271, %mul3A_1272 : i32
          %get3A_1274 = arith.index_cast %mul3A_1273 : i32 to index
          %get3A_1275 = tpu.vector_load %arg22[%get3A_1274] {strides = array<i32>} : memref<2048xf32, #tpu.memory_space<vmem>>, vector<16xf32>,
          %add3A_1276 = arith.addf %gather3A_1221, %gather3A_1222 : vector<16xf32>
          %add3A_1277 = arith.addf %add3A_1276, %select_n3A_1269 : vector<16xf32>
          %max3A_1278 = arith.constant 0.000000e+00 : f32
          %max3A_1279 = vector.broadcast %max3A_1278 : f32 to vector<16xf32>
          %max3A_1280 = arith.maximumf %add3A_1277, %max3A_1279 : vector<16xf32>
          %mul3A_1281 = arith.mulf %max3A_1280, %get3A_1275 : vector<16xf32>
          %add3A_1282 = arith.addf %add3A_1212, %mul3A_1281 : vector<16xf32>
          %add3A_1283 = arith.constant 15 : i32
          %add3A_1284 = vector.broadcast %add3A_1283 : i32 to vector<16xi32>
          %add3A_1285 = arith.addi %iota3A, %add3A_1284 : vector<16xi32>
          %and3A_1286 = arith.constant 15 : i32
          %and3A_1287 = vector.broadcast %and3A_1286 : i32 to vector<16xi32>
          %and3A_1288 = arith.andi %add3A_1285, %and3A_1287 : vector<16xi32>
          %add3A_1289 = vector.broadcast %mul3A_243 : i32 to vector<16xi32>
          %add3A_1290 = arith.addi %add3A_1289, %and3A_1288 : vector<16xi32>
          %gather3A_1291 = tpu.vector_load_idx %arg15[%add3A_215, %add3A_1290] : memref<256x128xf32, #tpu.memory_space<vmem>>[vector<16xi32>, vector<16xi32>], vector<16xf32>,
          %gather3A_1292 = tpu.vector_load_idx %arg16[%add3A_215, %add3A_1290] : memref<256x128xf32, #tpu.memory_space<vmem>>[vector<16xi32>, vector<16xi32>], vector<16xf32>,
          %jit3A_1293 = arith.constant 2 : i32
          %div3A_1294 = arith.divsi %mul3A_243, %jit3A_1293 : i32
          %sign3A_1295 = arith.constant 0 : i32
          %sign3A_1296 = arith.cmpi sgt, %mul3A_243, %sign3A_1295 : i32
          %sign3A_1297 = arith.extui %sign3A_1296 : i1 to i32
          %sign3A_1298 = arith.constant 0 : i32
          %sign3A_1299 = arith.cmpi slt, %mul3A_243, %sign3A_1298 : i32
          %sign3A_1300 = arith.extui %sign3A_1299 : i1 to i32
          %sign3A_1301 = arith.subi %sign3A_1297, %sign3A_1300 : i32
          %sign3A_1302 = arith.constant 0 : i32
          %sign3A_1303 = arith.cmpi sgt, %jit3A_1293, %sign3A_1302 : i32
          %sign3A_1304 = arith.extui %sign3A_1303 : i1 to i32
          %sign3A_1305 = arith.constant 0 : i32
          %sign3A_1306 = arith.cmpi slt, %jit3A_1293, %sign3A_1305 : i32
          %sign3A_1307 = arith.extui %sign3A_1306 : i1 to i32
          %sign3A_1308 = arith.subi %sign3A_1304, %sign3A_1307 : i32
          %ne3A_1309 = arith.cmpi ne, %sign3A_1301, %sign3A_1308 : i32
          %rem3A_1310 = arith.remsi %mul3A_243, %jit3A_1293 : i32
          %ne3A_1311 = arith.constant 0 : i32
          %ne3A_1312 = arith.cmpi ne, %rem3A_1310, %ne3A_1311 : i32
          %and3A_1313 = arith.andi %ne3A_1309, %ne3A_1312 : i1
          %sub3A_1314 = arith.constant 1 : i32
          %sub3A_1315 = arith.subi %div3A_1294, %sub3A_1314 : i32
          %select_n3A_1316 = arith.select %and3A_1313, %sub3A_1315, %div3A_1294 : i32
          %shift_right_arithmetic3A_1317 = arith.constant 1 : i32
          %shift_right_arithmetic3A_1318 = vector.broadcast %shift_right_arithmetic3A_1317 : i32 to vector<16xi32>
          %shift_right_arithmetic3A_1319 = arith.shrsi %and3A_1288, %shift_right_arithmetic3A_1318 : vector<16xi32>
          %add3A_1320 = vector.broadcast %select_n3A_1316 : i32 to vector<16xi32>
          %add3A_1321 = arith.addi %add3A_1320, %shift_right_arithmetic3A_1319 : vector<16xi32>
          %mul3A_1322 = arith.constant 64 : i32
          %mul3A_1323 = vector.broadcast %mul3A_1322 : i32 to vector<16xi32>
          %mul3A_1324 = arith.muli %get3A_220, %mul3A_1323 : vector<16xi32>
          %add3A_1325 = arith.addi %mul3A_1324, %add3A_1321 : vector<16xi32>
          %gather3A_1326 = tpu.vector_load_idx %arg17[%add3A_1325] : memref<32768xi32, #tpu.memory_space<vmem>>[vector<16xi32>], vector<16xi32>,
          %bitcast3A_1327 = vector.bitcast %gather3A_1326 : vector<16xi32> to vector<32xbf16>
          %unpack3A_1328 = tpu.unpack_subelements %bitcast3A_1327, 0 {pack_format = #tpu.pack_format<interleaved>} : vector<32xbf16> -> vector<16xf32>
          %unpack3A_1329 = tpu.unpack_subelements %bitcast3A_1327, 1 {pack_format = #tpu.pack_format<interleaved>} : vector<32xbf16> -> vector<16xf32>
          %add3A_1330 = arith.constant 15 : i32
          %add3A_1331 = vector.broadcast %add3A_1330 : i32 to vector<16xi32>
          %add3A_1332 = arith.addi %iota3A, %add3A_1331 : vector<16xi32>
          %and3A_1333 = arith.constant 1 : i32
          %and3A_1334 = vector.broadcast %and3A_1333 : i32 to vector<16xi32>
          %and3A_1335 = arith.andi %add3A_1332, %and3A_1334 : vector<16xi32>
          %eq3A_1336 = arith.constant 1 : i32
          %eq3A_1337 = vector.broadcast %eq3A_1336 : i32 to vector<16xi32>
          %eq3A_1338 = arith.cmpi eq, %and3A_1335, %eq3A_1337 : vector<16xi32>
          %select_n3A_1339 = arith.select %eq3A_1338, %unpack3A_1329, %unpack3A_1328 : vector<16xi1>, vector<16xf32>
          %add3A_1340 = arith.constant 15 : i32
          %add3A_1341 = arith.addi %mul3A_243, %add3A_1340 : i32
          %mul3A_1342 = arith.constant 16 : i32
          %mul3A_1343 = arith.muli %add3A_1341, %mul3A_1342 : i32
          %get3A_1344 = arith.index_cast %mul3A_1343 : i32 to index
          %get3A_1345 = tpu.vector_load %arg22[%get3A_1344] {strides = array<i32>} : memref<2048xf32, #tpu.memory_space<vmem>>, vector<16xf32>,
          %add3A_1346 = arith.addf %gather3A_1291, %gather3A_1292 : vector<16xf32>
          %add3A_1347 = arith.addf %add3A_1346, %select_n3A_1339 : vector<16xf32>
          %max3A_1348 = arith.constant 0.000000e+00 : f32
          %max3A_1349 = vector.broadcast %max3A_1348 : f32 to vector<16xf32>
          %max3A_1350 = arith.maximumf %add3A_1347, %max3A_1349 : vector<16xf32>
          %mul3A_1351 = arith.mulf %max3A_1350, %get3A_1345 : vector<16xf32>
          %add3A_1352 = arith.addf %add3A_1282, %mul3A_1351 : vector<16xf32>
          scf.yield %add3A_1352 : vector<16xf32>
        }
        %scan3A_226 = arith.constant 8 : i32
        %mul3A_227 = arith.constant 16 : i32
        %mul3A_228 = arith.muli %scan3A_210, %mul3A_227 : i32
        %add3A_229 = arith.addi %mul3A_186, %mul3A_228 : i32
        %swap3A = arith.index_cast %add3A_229 : i32 to index
        %swap3A_230 = tpu.vector_load %arg18[%swap3A] {strides = array<i32>} : memref<256xf32, #tpu.memory_space<vmem>>, vector<16xf32>,
        tpu.vector_store %arg18[%swap3A], %scan3A_225 {strides = array<i32>} : memref<256xf32, #tpu.memory_space<vmem>>, vector<16xf32>,
        %neg3A = arith.constant 0.000000e+00 : f32
        %neg3A_231 = vector.broadcast %neg3A : f32 to vector<16xf32>
        %neg3A_232 = arith.subf %neg3A_231, %scan3A_225 : vector<16xf32>
        %exp3A = math.exp %neg3A_232 : vector<16xf32>
        %add3A_233 = arith.constant 1.000000e+00 : f32
        %add3A_234 = vector.broadcast %add3A_233 : f32 to vector<16xf32>
        %add3A_235 = arith.addf %add3A_234, %exp3A : vector<16xf32>
        %div3A = arith.constant 1.000000e+00 : f32
        %div3A_236 = vector.broadcast %div3A : f32 to vector<16xf32>
        %div3A_237 = arith.divf %div3A_236, %add3A_235 : vector<16xf32>
        %swap3A_238 = arith.index_cast %add3A_229 : i32 to index
        %swap3A_239 = tpu.vector_load %arg19[%swap3A_238] {strides = array<i32>} : memref<256xf32, #tpu.memory_space<vmem>>, vector<16xf32>,
        tpu.vector_store %arg19[%swap3A_238], %div3A_237 {strides = array<i32>} : memref<256xf32, #tpu.memory_space<vmem>>, vector<16xf32>,
      }
      %scan3A_192 = arith.constant 8 : i32
      %mul3A_193 = arith.constant 128 : i32
      %mul3A_194 = arith.muli %scan3A_104, %mul3A_193 : i32
      %add3A_195 = arith.addi %mul3A_2, %mul3A_194 : i32
      %mul3A_196 = arith.constant 128 : i32
      %mul3A_197 = arith.muli %rem3A_105, %mul3A_196 : i32
      %dma_start3A_198 = tpu.memref_slice %arg18[%mul3A_197] : memref<256xf32, #tpu.memory_space<vmem>> -> memref<128xf32, #tpu.memory_space<vmem>>
      %dma_start3A_199 = tpu.memref_slice %arg10[%add3A_195] : memref<327680xf32, #tpu.memory_space<hbm>> -> memref<128xf32, #tpu.memory_space<hbm>>
      %dma_start3A_200 = tpu.memref_slice %arg24[%rem3A_105] : memref<2x!tpu.dma_semaphore, #tpu.memory_space<semaphore_mem>> -> memref<1x!tpu.dma_semaphore, #tpu.memory_space<semaphore_mem>>
      %dma_start3A_201 = tpu.memref_squeeze %dma_start3A_200 : memref<1x!tpu.dma_semaphore, #tpu.memory_space<semaphore_mem>> -> memref<!tpu.dma_semaphore, #tpu.memory_space<semaphore_mem>>
      %dma_start3A_202 = tpu.memref_slice %arg10[%add3A_195] : memref<327680xf32, #tpu.memory_space<hbm>> -> memref<128xf32, #tpu.memory_space<hbm>>
      %dma_start3A_203 = tpu.memref_slice %arg18[%mul3A_197] : memref<256xf32, #tpu.memory_space<vmem>> -> memref<128xf32, #tpu.memory_space<vmem>>
      tpu.enqueue_dma source(%dma_start3A_203 : memref<128xf32, #tpu.memory_space<vmem>>) target(%dma_start3A_202 : memref<128xf32, #tpu.memory_space<hbm>>) target_semaphore(%dma_start3A_201 : memref<!tpu.dma_semaphore, #tpu.memory_space<semaphore_mem>>)
      %dma_start3A_204 = tpu.memref_slice %arg19[%mul3A_197] : memref<256xf32, #tpu.memory_space<vmem>> -> memref<128xf32, #tpu.memory_space<vmem>>
      %dma_start3A_205 = tpu.memref_slice %arg11[%add3A_195] : memref<327680xf32, #tpu.memory_space<hbm>> -> memref<128xf32, #tpu.memory_space<hbm>>
      %dma_start3A_206 = tpu.memref_slice %arg24[%rem3A_105] : memref<2x!tpu.dma_semaphore, #tpu.memory_space<semaphore_mem>> -> memref<1x!tpu.dma_semaphore, #tpu.memory_space<semaphore_mem>>
      %dma_start3A_207 = tpu.memref_squeeze %dma_start3A_206 : memref<1x!tpu.dma_semaphore, #tpu.memory_space<semaphore_mem>> -> memref<!tpu.dma_semaphore, #tpu.memory_space<semaphore_mem>>
      %dma_start3A_208 = tpu.memref_slice %arg11[%add3A_195] : memref<327680xf32, #tpu.memory_space<hbm>> -> memref<128xf32, #tpu.memory_space<hbm>>
      %dma_start3A_209 = tpu.memref_slice %arg19[%mul3A_197] : memref<256xf32, #tpu.memory_space<vmem>> -> memref<128xf32, #tpu.memory_space<vmem>>
      tpu.enqueue_dma source(%dma_start3A_209 : memref<128xf32, #tpu.memory_space<vmem>>) target(%dma_start3A_208 : memref<128xf32, #tpu.memory_space<hbm>>) target_semaphore(%dma_start3A_207 : memref<!tpu.dma_semaphore, #tpu.memory_space<semaphore_mem>>)
    }
    %scan3A_68 = arith.constant 80 : i32
    %dma_wait3A = arith.constant 0 : i32
    %dma_wait3A_69 = arith.constant 0 : i32
    %dma_wait3A_70 = tpu.memref_slice %arg18[%dma_wait3A_69] : memref<256xf32, #tpu.memory_space<vmem>> -> memref<128xf32, #tpu.memory_space<vmem>>
    %dma_wait3A_71 = tpu.memref_slice %arg10[%mul3A_2] : memref<327680xf32, #tpu.memory_space<hbm>> -> memref<128xf32, #tpu.memory_space<hbm>>
    %dma_wait3A_72 = tpu.memref_slice %arg24[%dma_wait3A] : memref<2x!tpu.dma_semaphore, #tpu.memory_space<semaphore_mem>> -> memref<1x!tpu.dma_semaphore, #tpu.memory_space<semaphore_mem>>
    %dma_wait3A_73 = tpu.memref_squeeze %dma_wait3A_72 : memref<1x!tpu.dma_semaphore, #tpu.memory_space<semaphore_mem>> -> memref<!tpu.dma_semaphore, #tpu.memory_space<semaphore_mem>>
    %dma_wait3A_74 = tpu.memref_slice %arg10[%mul3A_2] : memref<327680xf32, #tpu.memory_space<hbm>> -> memref<128xf32, #tpu.memory_space<hbm>>
    %dma_wait3A_75 = arith.constant 0 : i32
    %dma_wait3A_76 = tpu.memref_slice %arg18[%dma_wait3A_75] : memref<256xf32, #tpu.memory_space<vmem>> -> memref<128xf32, #tpu.memory_space<vmem>>
    tpu.wait_dma2 semaphore(%dma_wait3A_73 : memref<!tpu.dma_semaphore, #tpu.memory_space<semaphore_mem>>) src(%dma_wait3A_76 : memref<128xf32, #tpu.memory_space<vmem>>) dst(%dma_wait3A_74 : memref<128xf32, #tpu.memory_space<hbm>>)
    %dma_wait3A_77 = arith.constant 0 : i32
    %dma_wait3A_78 = arith.constant 0 : i32
    %dma_wait3A_79 = tpu.memref_slice %arg19[%dma_wait3A_78] : memref<256xf32, #tpu.memory_space<vmem>> -> memref<128xf32, #tpu.memory_space<vmem>>
    %dma_wait3A_80 = tpu.memref_slice %arg11[%mul3A_2] : memref<327680xf32, #tpu.memory_space<hbm>> -> memref<128xf32, #tpu.memory_space<hbm>>
    %dma_wait3A_81 = tpu.memref_slice %arg24[%dma_wait3A_77] : memref<2x!tpu.dma_semaphore, #tpu.memory_space<semaphore_mem>> -> memref<1x!tpu.dma_semaphore, #tpu.memory_space<semaphore_mem>>
    %dma_wait3A_82 = tpu.memref_squeeze %dma_wait3A_81 : memref<1x!tpu.dma_semaphore, #tpu.memory_space<semaphore_mem>> -> memref<!tpu.dma_semaphore, #tpu.memory_space<semaphore_mem>>
    %dma_wait3A_83 = tpu.memref_slice %arg11[%mul3A_2] : memref<327680xf32, #tpu.memory_space<hbm>> -> memref<128xf32, #tpu.memory_space<hbm>>
    %dma_wait3A_84 = arith.constant 0 : i32
    %dma_wait3A_85 = tpu.memref_slice %arg19[%dma_wait3A_84] : memref<256xf32, #tpu.memory_space<vmem>> -> memref<128xf32, #tpu.memory_space<vmem>>
    tpu.wait_dma2 semaphore(%dma_wait3A_82 : memref<!tpu.dma_semaphore, #tpu.memory_space<semaphore_mem>>) src(%dma_wait3A_85 : memref<128xf32, #tpu.memory_space<vmem>>) dst(%dma_wait3A_83 : memref<128xf32, #tpu.memory_space<hbm>>)
    %dma_wait3A_86 = arith.constant 1 : i32
    %dma_wait3A_87 = arith.constant 128 : i32
    %dma_wait3A_88 = tpu.memref_slice %arg18[%dma_wait3A_87] : memref<256xf32, #tpu.memory_space<vmem>> -> memref<128xf32, #tpu.memory_space<vmem>>
    %dma_wait3A_89 = tpu.memref_slice %arg10[%mul3A_2] : memref<327680xf32, #tpu.memory_space<hbm>> -> memref<128xf32, #tpu.memory_space<hbm>>
    %dma_wait3A_90 = tpu.memref_slice %arg24[%dma_wait3A_86] : memref<2x!tpu.dma_semaphore, #tpu.memory_space<semaphore_mem>> -> memref<1x!tpu.dma_semaphore, #tpu.memory_space<semaphore_mem>>
    %dma_wait3A_91 = tpu.memref_squeeze %dma_wait3A_90 : memref<1x!tpu.dma_semaphore, #tpu.memory_space<semaphore_mem>> -> memref<!tpu.dma_semaphore, #tpu.memory_space<semaphore_mem>>
    %dma_wait3A_92 = tpu.memref_slice %arg10[%mul3A_2] : memref<327680xf32, #tpu.memory_space<hbm>> -> memref<128xf32, #tpu.memory_space<hbm>>
    %dma_wait3A_93 = arith.constant 128 : i32
    %dma_wait3A_94 = tpu.memref_slice %arg18[%dma_wait3A_93] : memref<256xf32, #tpu.memory_space<vmem>> -> memref<128xf32, #tpu.memory_space<vmem>>
    tpu.wait_dma2 semaphore(%dma_wait3A_91 : memref<!tpu.dma_semaphore, #tpu.memory_space<semaphore_mem>>) src(%dma_wait3A_94 : memref<128xf32, #tpu.memory_space<vmem>>) dst(%dma_wait3A_92 : memref<128xf32, #tpu.memory_space<hbm>>)
    %dma_wait3A_95 = arith.constant 1 : i32
    %dma_wait3A_96 = arith.constant 128 : i32
    %dma_wait3A_97 = tpu.memref_slice %arg19[%dma_wait3A_96] : memref<256xf32, #tpu.memory_space<vmem>> -> memref<128xf32, #tpu.memory_space<vmem>>
    %dma_wait3A_98 = tpu.memref_slice %arg11[%mul3A_2] : memref<327680xf32, #tpu.memory_space<hbm>> -> memref<128xf32, #tpu.memory_space<hbm>>
    %dma_wait3A_99 = tpu.memref_slice %arg24[%dma_wait3A_95] : memref<2x!tpu.dma_semaphore, #tpu.memory_space<semaphore_mem>> -> memref<1x!tpu.dma_semaphore, #tpu.memory_space<semaphore_mem>>
    %dma_wait3A_100 = tpu.memref_squeeze %dma_wait3A_99 : memref<1x!tpu.dma_semaphore, #tpu.memory_space<semaphore_mem>> -> memref<!tpu.dma_semaphore, #tpu.memory_space<semaphore_mem>>
    %dma_wait3A_101 = tpu.memref_slice %arg11[%mul3A_2] : memref<327680xf32, #tpu.memory_space<hbm>> -> memref<128xf32, #tpu.memory_space<hbm>>
    %dma_wait3A_102 = arith.constant 128 : i32
    %dma_wait3A_103 = tpu.memref_slice %arg19[%dma_wait3A_102] : memref<256xf32, #tpu.memory_space<vmem>> -> memref<128xf32, #tpu.memory_space<vmem>>
    tpu.wait_dma2 semaphore(%dma_wait3A_100 : memref<!tpu.dma_semaphore, #tpu.memory_space<semaphore_mem>>) src(%dma_wait3A_103 : memref<128xf32, #tpu.memory_space<vmem>>) dst(%dma_wait3A_101 : memref<128xf32, #tpu.memory_space<hbm>>)
    return
  }
}

module attributes {stable_mosaic.version = 14 : i64} {
  func.func @_c_body(%arg0: memref<512x16xf32, #tpu.memory_space<vmem>>, %arg1: memref<16x128xf32, #tpu.memory_space<vmem>>, %arg2: memref<1x128xf32, #tpu.memory_space<vmem>>, %arg3: memref<512x128xf32, #tpu.memory_space<vmem>>) attributes {dimension_semantics = [], scalar_prefetch = 0 : i64, scratch_operands = 0 : i64, tpu.core_type = #tpu.core_type<tc>} {
    %get3A = arith.constant 0 : index
    %get3A_0 = arith.constant 0 : index
    %get3A_1 = vector.load %arg0[%get3A, %get3A_0] : memref<512x16xf32, #tpu.memory_space<vmem>>, vector<512x16xf32>
    %get3A_2 = arith.constant 0 : index
    %get3A_3 = arith.constant 0 : index
    %get3A_4 = vector.load %arg1[%get3A_2, %get3A_3] : memref<16x128xf32, #tpu.memory_space<vmem>>, vector<16x128xf32>
    %dot_general3A = arith.constant dense<0.000000e+00> : vector<512x128xf32>
    %dot_general3A_5 = tpu.matmul %get3A_1, %get3A_4, %dot_general3A {dimension_numbers = #tpu.dot_dimension_numbers<[1], [0], [0], [1], [0, 0, 1, 1], [], []>, transpose_lhs_hint = false} : vector<512x16xf32>, vector<16x128xf32>, vector<512x128xf32> -> vector<512x128xf32>
    %get3A_6 = arith.constant 0 : index
    %get3A_7 = arith.constant 0 : index
    %get3A_8 = vector.load %arg2[%get3A_6, %get3A_7] : memref<1x128xf32, #tpu.memory_space<vmem>>, vector<1x128xf32>
    %add3A = vector.broadcast %get3A_8 : vector<1x128xf32> to vector<512x128xf32>
    %add3A_9 = arith.addf %dot_general3A_5, %add3A : vector<512x128xf32>
    %swap3A = arith.constant 0 : index
    %swap3A_10 = arith.constant 0 : index
    %swap3A_11 = vector.load %arg3[%swap3A, %swap3A_10] : memref<512x128xf32, #tpu.memory_space<vmem>>, vector<512x128xf32>
    tpu.vector_store %arg3[%swap3A, %swap3A_10], %add3A_9 {strides = array<i32>} : memref<512x128xf32, #tpu.memory_space<vmem>>, vector<512x128xf32>,
    return
  }
}

module attributes {stable_mosaic.version = 14 : i64} {
  func.func @_ab_body(%arg0: i32, %arg1: memref<1000x128xf32, #tpu.memory_space<vmem>>, %arg2: memref<128x128xf32, #tpu.memory_space<vmem>>, %arg3: memref<128x128xf32, #tpu.memory_space<vmem>>, %arg4: memref<1000x128xf32, #tpu.memory_space<vmem>>, %arg5: memref<1000x128xf32, #tpu.memory_space<vmem>>) attributes {dimension_semantics = [#tpu.dimension_semantics<arbitrary>], iteration_bounds = array<i64: 10>, scalar_prefetch = 0 : i64, scratch_operands = 0 : i64, tpu.core_type = #tpu.core_type<tc>, window_params = [{transform_indices = @transform_0, window_bounds = array<i64: 1000, 128>}, {pipeline_mode = #tpu.pipeline_mode<synchronous>, transform_indices = @transform_1, window_bounds = array<i64: 128, 128>}, {pipeline_mode = #tpu.pipeline_mode<synchronous>, transform_indices = @transform_2, window_bounds = array<i64: 128, 128>}, {transform_indices = @transform_3, window_bounds = array<i64: 1000, 128>}, {transform_indices = @transform_4, window_bounds = array<i64: 1000, 128>}]} {
    %get3A = arith.constant 0 : index
    %get3A_0 = arith.constant 0 : index
    %get3A_1 = vector.load %arg1[%get3A, %get3A_0] : memref<1000x128xf32, #tpu.memory_space<vmem>>, vector<1000x128xf32>
    %get3A_2 = arith.constant 0 : index
    %get3A_3 = arith.constant 0 : index
    %get3A_4 = vector.load %arg2[%get3A_2, %get3A_3] : memref<128x128xf32, #tpu.memory_space<vmem>>, vector<128x128xf32>
    %dot_general3A = arith.constant dense<0.000000e+00> : vector<1000x128xf32>
    %dot_general3A_5 = tpu.matmul %get3A_1, %get3A_4, %dot_general3A {dimension_numbers = #tpu.dot_dimension_numbers<[1], [0], [0], [1], [0, 0, 1, 1], [], []>, transpose_lhs_hint = false} : vector<1000x128xf32>, vector<128x128xf32>, vector<1000x128xf32> -> vector<1000x128xf32>
    %swap3A = arith.constant 0 : index
    %swap3A_6 = arith.constant 0 : index
    %swap3A_7 = vector.load %arg4[%swap3A, %swap3A_6] : memref<1000x128xf32, #tpu.memory_space<vmem>>, vector<1000x128xf32>
    tpu.vector_store %arg4[%swap3A, %swap3A_6], %dot_general3A_5 {strides = array<i32>} : memref<1000x128xf32, #tpu.memory_space<vmem>>, vector<1000x128xf32>,
    %get3A_8 = arith.constant 0 : index
    %get3A_9 = arith.constant 0 : index
    %get3A_10 = vector.load %arg3[%get3A_8, %get3A_9] : memref<128x128xf32, #tpu.memory_space<vmem>>, vector<128x128xf32>
    %dot_general3A_11 = arith.constant dense<0.000000e+00> : vector<1000x128xf32>
    %dot_general3A_12 = tpu.matmul %get3A_1, %get3A_10, %dot_general3A_11 {dimension_numbers = #tpu.dot_dimension_numbers<[1], [0], [0], [1], [0, 0, 1, 1], [], []>, transpose_lhs_hint = false} : vector<1000x128xf32>, vector<128x128xf32>, vector<1000x128xf32> -> vector<1000x128xf32>
    %swap3A_13 = arith.constant 0 : index
    %swap3A_14 = arith.constant 0 : index
    %swap3A_15 = vector.load %arg5[%swap3A_13, %swap3A_14] : memref<1000x128xf32, #tpu.memory_space<vmem>>, vector<1000x128xf32>
    tpu.vector_store %arg5[%swap3A_13, %swap3A_14], %dot_general3A_12 {strides = array<i32>} : memref<1000x128xf32, #tpu.memory_space<vmem>>, vector<1000x128xf32>,
    return
  }
  func.func @transform_0(%arg0: i32) -> (i32, i32) {
    %c0_i32 = arith.constant 0 : i32
    %c0_i32_0 = arith.constant 0 : i32
    return %arg0, %c0_i32 : i32, i32
  }
  func.func @transform_1(%arg0: i32) -> (i32, i32) {
    %c0_i32 = arith.constant 0 : i32
    %c0_i32_0 = arith.constant 0 : i32
    %c0_i32_1 = arith.constant 0 : i32
    return %c0_i32, %c0_i32_0 : i32, i32
  }
  func.func @transform_2(%arg0: i32) -> (i32, i32) {
    %c0_i32 = arith.constant 0 : i32
    %c0_i32_0 = arith.constant 0 : i32
    %c0_i32_1 = arith.constant 0 : i32
    return %c0_i32, %c0_i32_0 : i32, i32
  }
  func.func @transform_3(%arg0: i32) -> (i32, i32) {
    %c0_i32 = arith.constant 0 : i32
    %c0_i32_0 = arith.constant 0 : i32
    return %arg0, %c0_i32 : i32, i32
  }
  func.func @transform_4(%arg0: i32) -> (i32, i32) {
    %c0_i32 = arith.constant 0 : i32
    %c0_i32_0 = arith.constant 0 : i32
    return %arg0, %c0_i32 : i32, i32
  }
}

</mosaic_0001>

<sc_bundles>
// kernel: kernel.5.cloned.1.call-start
scs
__scs_entry_jumppad:
0x0: {  	(pc) =	sbr.rel $0x88, $3  }
0x1: {  	(tag) =	ssettag $0x0;
	lr =	simm.s32 $0x1  }
0x2: {  	[smem:$0x3F99] =	sst lr;
	_ =	strace $0xD0000000  }
0x3: {  	_ = 	snop  }
0x4: {  	_ = 	snop  }
0x5: {  	_ = 	snop  }
0x6: {  	_ = 	snop  }
0x7: {  	_ = 	snop  }
__scs_overlays_trampoline_lowered:
0x8: {  	[smem:$0x3FA8] =	sst s0  }
0x9: {  	[smem:$0x3FA9] =	sst s1  }
0xa: {  	[smem:$0x3FAA] =	sst s2  }
0xb: {  	[smem:$0x3FAB] =	sst s3  }
0xc: {  	[smem:$0x3FAC] =	sst s4  }
0xd: {  	[smem:$0x3FAD] =	sst s5  }
0xe: {  	[smem:$0x3FAE] =	sst s6  }
0xf: {  	[smem:$0x3FAF] =	sst s7  }
0x10: {  	[smem:$0x3FB0] =	sst s8  }
0x11: {  	[smem:$0x3FB1] =	sst s9;
	s0 =	simm.s32 @!p0 $0x0  }
0x12: {  	s1 =	sld [smem:$0x3F97];
	s0 =	simm.s32 @p0 $0x1  }
0x13: {  	[smem:$0x3FB2] =	sst s0;
	s0 =	simm.s32 @!p1 $0x0  }
0x14: {  	s2 =	sld [smem:$0x3F96];
	s0 =	simm.s32 @p1 $0x1  }
0x15: {  	[smem:$0x3FB3] =	sst s0;
	s0 =	simm.s32 @!p2 $0x0  }
0x16: {  	s3 =	sld [smem:$0x3FDB];
	s0 =	simm.s32 @p2 $0x1  }
0x17: {  	s4 =	simm.s32 $0x1BF5;
	[smem:$0x3FB5] =	sst s0  }
0x18: {  	s0 =	sld [smem:$0x3F98];
	_ =	swait.ge [sflag:s4], $0x0  }
0x19: {  	s7 =	sld [smem:$0x3F99]  }
0x1a: {  	s8 =	sadd.s32 $0xFFFFE003, lr  }
0x1b: {  	s9 =	sadd.s32 $0xFFFFFEF7, lr;
	s5 =	simm.s32 $0xFFFFFFFF;
	p2 =	slt.u32 s8, $0xFFFFF086  }
0x1c: {  	p1 =	slt.u32 s9, $0xF7A;
	s5 =	simm.s32 @!p2 $0x0  }
0x1d: {  	s5 =	simm.s32 @p1 $0x1;
	p0 =	seq.s32 s7, s2  }
0x1e: {  	s7 =	smul.u32 @!p0 $0xF7A, s2;
	p2 =	seq.s32 @!p0 s5, $0x0  }
0x1f: {  	s9 =	smul.u32 $0xF7A, s1;
	s8 =	simm.s32 @!p0 $0x1BF5;
	p2 =	por !p2, p0  }
0x20: {  	[sflag:s8] =	ssyncset.s32 @!p0 $0xFFFFF086;
	s6 =	sadd.s32 @!p0 s3, s7;
	s7 =	simm.s32 @!p0 $0x108  }
0x21: {  	s3 =	sadd.s32 s3, s9;
	s6 =	sadd.s32 @!p0 $0x88, s6;
	s7 =	simm.s32 @p2 $0x1082  }
0x22: {  	[simem:s7], [sflag:s8] =	dma.local @!p0 [hbm:s6], $0xF7A  }
0x23: {  	s9 =	sor.u32 $0xD0000000, s2;
	s6 =	simm.s32 $0x108;
	_ =	swait.ge @!p0 [sflag:s8], $0x0  }
0x24: {  	s3 =	sadd.s32 $0x88, s3;
	s6 =	simm.s32 @!p1 $0x1082;
	[sflag:s4] =	ssyncset.s32 $0xFFFFF086  }
0x25: {  	[simem:s6], [sflag:s4] =	dma.local [hbm:s3], $0xF7A  }
0x26: {  	[smem:$0x3F99] =	sst s1;
	(tag) =	ssettag s2;
	_ =	strace s9  }
0x27: {  	s1 =	sld [smem:$0x3FA9]  }
0x28: {  	s2 =	sld [smem:$0x3FAA]  }
0x29: {  	s4 =	sld [smem:$0x3FAC]  }
0x2a: {  	p0 =	seq.s32 s5, $0x0;
	s5 =	sld [smem:$0x3FAD]  }
0x2b: {  	s6 =	sld [smem:$0x3FAE]  }
0x2c: {  	s7 =	sld [smem:$0x3FAF]  }
0x2d: {  	s3 =	simm.s32 $0x108;
	s8 =	sld [smem:$0x3FB0]  }
0x2e: {  	s3 =	simm.s32 @!p0 $0x1082;
	s9 =	sld [smem:$0x3FB1]  }
0x2f: {  	lr =	sadd.s32 s0, s3;
	s0 =	sld [smem:$0x3FA8]  }
0x30: {  	s3 =	sld [smem:$0x3FAB]  }
0x31: {  	[smem:$0x3FB4] =	sst s10  }
0x32: {  	s10 =	sld [smem:$0x3FB2];
	_ =	sdelay $0x3  }
0x33: {  	p0 =	seq.s32 s10, $0x1;
	s10 =	sld [smem:$0x3FB4];
	_ =	sdelay $0x3  }
0x34: {  	[smem:$0x3FB4] =	sst s10  }
0x35: {  	s10 =	sld [smem:$0x3FB3];
	_ =	sdelay $0x3  }
0x36: {  	p1 =	seq.s32 s10, $0x1;
	s10 =	sld [smem:$0x3FB4];
	_ =	sdelay $0x3  }
0x37: {  	[smem:$0x3FB4] =	sst s10  }
0x38: {  	s10 =	sld [smem:$0x3FB5]  }
0x39: {  	_ = 	snop;
	(pc) =	sbr.ind lr, $3  }
0x3a: {  	_ = 	snop  }
0x3b: {  	_ = 	snop  }
0x3c: {  	p2 =	seq.s32 s10, $0x1;
	s10 =	sld [smem:$0x3FB4]  }
0x3d: {  	_ =	shalt  }
0x3e: {  	_ =	shalt  }
0x3f: {  	_ =	shalt  }
0x40: {  	_ =	shalt  }
0x41: {  	_ =	shalt  }
0x42: {  	_ =	shalt  }
0x43: {  	_ =	shalt  }
0x44: {  	_ =	shalt  }
0x45: {  	_ =	shalt  }
0x46: {  	_ =	shalt  }
0x47: {  	_ =	shalt  }
0x48: {  	_ =	shalt  }
0x49: {  	_ =	shalt  }
0x4a: {  	_ =	shalt  }
0x4b: {  	_ =	shalt  }
0x4c: {  	_ =	shalt  }
0x4d: {  	_ =	shalt  }
0x4e: {  	_ =	shalt  }
0x4f: {  	_ =	shalt  }
0x50: {  	_ =	shalt  }
0x51: {  	_ =	shalt  }
0x52: {  	_ =	shalt  }
0x53: {  	_ =	shalt  }
0x54: {  	_ =	shalt  }
0x55: {  	_ =	shalt  }
0x56: {  	_ =	shalt  }
0x57: {  	_ =	shalt  }
0x58: {  	_ =	shalt  }
0x59: {  	_ =	shalt  }
0x5a: {  	_ =	shalt  }
0x5b: {  	_ =	shalt  }
0x5c: {  	_ =	shalt  }
0x5d: {  	_ =	shalt  }
0x5e: {  	_ =	shalt  }
0x5f: {  	_ =	shalt  }
0x60: {  	_ =	shalt  }
0x61: {  	_ =	shalt  }
0x62: {  	_ =	shalt  }
0x63: {  	_ =	shalt  }
0x64: {  	_ =	shalt  }
0x65: {  	_ =	shalt  }
0x66: {  	_ =	shalt  }
0x67: {  	_ =	shalt  }
0x68: {  	_ =	shalt  }
0x69: {  	_ =	shalt  }
0x6a: {  	_ =	shalt  }
0x6b: {  	_ =	shalt  }
0x6c: {  	_ =	shalt  }
0x6d: {  	_ =	shalt  }
0x6e: {  	_ =	shalt  }
0x6f: {  	_ =	shalt  }
0x70: {  	_ =	shalt  }
0x71: {  	_ =	shalt  }
0x72: {  	_ =	shalt  }
0x73: {  	_ =	shalt  }
0x74: {  	_ =	shalt  }
0x75: {  	_ =	shalt  }
0x76: {  	_ =	shalt  }
0x77: {  	_ =	shalt  }
0x78: {  	_ =	shalt  }
0x79: {  	_ =	shalt  }
0x7a: {  	_ =	shalt  }
0x7b: {  	_ =	shalt  }
0x7c: {  	_ =	shalt  }
0x7d: {  	_ =	shalt  }
0x7e: {  	_ =	shalt  }
0x7f: {  	_ =	shalt  }
0x80: {  	_ =	shalt  }
0x81: {  	_ =	shalt  }
0x82: {  	_ =	shalt  }
0x83: {  	_ =	shalt  }
0x84: {  	_ =	shalt  }
0x85: {  	_ =	shalt  }
0x86: {  	_ =	shalt  }
0x87: {  	_ =	shalt  }
.Lfunc_end0:
.L_simem_size_0:
called_computation_lowered:
.L_overlay_start_0:
0x88: {  	s2 =	sld [smem:$0x3FD9]  }
0x89: {  	s3 =	sld [smem:$0x3FFE];
	_ =	sdelay $0x1  }
0x8a: {  	s1 =	srdreg.scid  }
0x8b: {  	s0 =	sand.u32 $0x1, s1  }
0x8c: {  	s14 =	sshll.u32 s0, $0xA;
	s2 =	sadd.s32 s3, s2  }
0x8d: {  	s2 =	sadd.s32 s2, s14  }
0x8e: {  	[smem:$0x3FC0] =	sst s2  }
0x8f: {  	_ = 	snop  }
0x90: {  	s2 =	sld [smem:$0x3FD0];
	_ =	sdelay $0x2  }
0x91: {  	s4 =	simm.s32 $0xA;
	s5 =	simm.s32 $0x10;
	s15 =	sld [smem:$0x3FC3]  }
0x92: {  	[smem:s5], [sflag:s4] =	dma.local [hbm:s2], $0x1  }
0x93: {  	_ =	swait.eq [sflag:s4], $0x1  }
0x94: {  	[sflag:s4] =	ssyncset.done $0x0  }
0x95: {  	[sflag:s4] =	ssyncadd.s32 $0xFFFFFFFF  }
0x96: {  	s16 =	sld [smem:$0x11];
	(tm) =	ssettm $0x1  }
0x97: {  	s17 =	sld [smem:$0x3FFB];
	_ =	sdelay $0x3  }
0x98: {  	_ =	strace s17  }
0x99: {  	s4 =	sld [smem:$0x3FFC];
	_ =	sdelay $0x3  }
0x9a: {  	_ =	strace s4  }
0x9b: {  	s4 =	sld [smem:$0x3FFD];
	_ =	sdelay $0x3  }
0x9c: {  	_ =	strace s4  }
0x9d: {  	_ =	strace $0x8FFFFFFF  }
0x9e: {  	s18 =	sld [smem:$0x3FDB];
	_ =	sdelay $0x1  }
0x9f: {  	s19 =	simm.s32 $_scs_section_size  }
0xa0: {  	s6 =	simm.s32 $_size__tile_overlayer_lowered;
	s7 =	simm.s32 $_tile_overlayer_lowered  }
0xa1: {  	s22 =	simm.s32 $0x1BFF;
	s21 =	sshll.u32 s7, $0x1;
	s4 =	sadd.s32 s19, s18  }
0xa2: {  	s8 =	simm.s32 $0x0;
	s20 =	sshll.u32 s6, $0x1;
	s6 =	sadd.s32 s21, s4  }
0xa3: {  	[timem:s8], [sflag:s22] =	dma.local [hbm:s6], s20  }
0xa4: {  	_ =	swait.ge [sflag:s22], s20  }
0xa5: {  	s5 =	ssub.s32 $0x0, s20;
	[sflag:s22] =	ssyncset.done $0x0  }
0xa6: {  	[sflag:s22] =	ssyncadd.s32 s5;
	_ =	sdelay $0x1  }
0xa7: {  	s23 =	simm.s32 $0x1B8B  }
0xa8: {  	_ =	swait.ge [sflag:s23], $0x1  }
0xa9: {  	[sflag:s23] =	ssyncset.done $0x0  }
0xaa: {  	s25 =	simm.s32 $0x1B8E;
	s24 =	sld [smem:$0x3FFE];
	[sflag:s23] =	ssyncadd.s32 $0xFFFFFFFF  }
0xab: {  	s26 =	simm.s32 $execute0_lowered;
	[smem:$0x3FD2] =	sst s25  }
0xac: {  	s6 =	sshll.u32 s26, $0x1;
	_ =	strace $0x80000046;
	[dreg:$0x1] =	wrdreg $0xFFFFFFFF  }
0xad: {  	s28 =	simm.s32 $_size_execute0_lowered;
	s4 =	sadd.s32 s4, s6;
	[dreg:$0x0] =	wrdreg $0x0  }
0xae: {  	s6 =	sshll.u32 s28, $0x1;
	[dreg:$0x2] =	wrdreg s4  }
0xaf: {  	[dreg:$0x3] =	wrdreg s6  }
0xb0: {  	[dreg:$0x4] =	wrdreg $0xC0  }
0xb1: {  	_ =	task [dreg:s8], $0x5FFFF  }
0xb2: {  	[dreg:$0x1] =	wrdreg $0xFFFFFFFF  }
0xb3: {  	[dreg:$0x0] =	wrdreg $0x60  }
0xb4: {  	[dreg:$0x2] =	wrdreg s24  }
0xb5: {  	[dreg:$0x3] =	wrdreg s16  }
0xb6: {  	[dreg:$0x4] =	wrdreg s15  }
0xb7: {  	[dreg:$0x5] =	wrdreg $0x9  }
0xb8: {  	_ =	task.clear_ibuf [dreg:s8], $0x6FFFF;
	_ =	strace $0x90000046  }
0xb9: {  	s29 =	simm.s32 $0x9;
	_ =	strace $0x80000048  }
0xba: {  	_ =	swait.ge [sflag:s29], $0x1  }
0xbb: {  	[sflag:s29] =	ssyncadd.s32 $0xFFFFFFFF  }
0xbc: {  	_ =	strace $0x90000048  }
0xbd: {  	_ =	sfence  }
0xbe: {  	s30 =	sld [smem:$0x0];
	_ =	sdelay $0x2  }
0xbf: {  	s31 =	sshll.u32 s1, $0xD;
	s1 =	sshrl.u32 s1, $0x2  }
0xc0: {  	s3 =	sand.u32 $0x4000, s31;
	s1 =	sadd.s32 s1, s30  }
0xc1: {  	s0 =	sor.u32 s3, s0;
	s1 =	sshll.u32 s1, $0x11  }
0xc2: {  	s0 =	sor.u32 s1, s0  }
0xc3: {  	s0 =	sadd.s32 $0x8F2B, s0  }
0xc4: {  	[sflag:s0] =	ssyncadd.remote.s32 $0x1  }
0xc5: {  	_ =	sfence.sel $0xFFFF  }
0xc6: {  	[dreg:$0x0] =	wrdreg $0xFFFFFFFF;
	(pc) =	sbr.abs _section_cstart, $3  }
0xc7: {  	[dreg:$0x1] =	wrdreg $0xFFFFFFFF  }
0xc8: {  	_ =	task.clear_ibuf [dreg:s8], $0x2FFFF;
	_ =	strace $0x9FFFFFFF  }
0xc9: {  	(tm) =	ssettm $0x7FFFFFFF  }
tec
execute0_lowered:
.L_overlay_start_1:
0x0: {  	(tag) =	ssettag $0x1  }
0x1: {  	v0 =	vimm.s32 $0xFEDCBA9  }
0x2: {  	v18 =	vlaneseq.u32;
	v1 =	vimm.s32 $0x87654321;
	v2 =	vimm.s32 $0x10FEDCBA  }
0x3: {  	v3 =	vimm.s32 $0x98765432;
	v4 =	vimm.s32 $0x210FEDCB;
	v5 =	vimm.s32 $0xA9876543  }
0x4: {  	v6 =	vimm.s32 $0x3210FEDC;
	v7 =	vimm.s32 $0xBA987654;
	v11 =	vimm.s32 $0x43210FED  }
0x5: {  	v12 =	vimm.s32 $0xCBA98765;
	v56 =	vimm.s32 $0x543210FE;
	v57 =	vimm.s32 $0xDCBA9876  }
0x6: {  	v13 =	vimm.s32 $0x6543210F;
	v14 =	vimm.s32 $0xEDCBA987;
	v16 =	vimm.s32 $0xFEDCBA98  }
0x7: {  	v17 =	vimm.s32 $0x76543210;
	v22 =	vimm.s32 $0x43322114;
	v29 =	vimm.s32 $0x7766550  }
0x8: {  	vm0 =	vcmask $0x2304;
	v30 =	vimm.s32 $0x54433225;
	v31 =	vimm.s32 $0x10077660  }
0x9: {  	v32 =	vimm.s32 $0x776655;
	v33 =	vimm.s32 $0x44332211;
	vm1 =	vcmask $0x3F24  }
0xa: {  	v36 =	vimm.s32 $0x65544336;
	v37 =	vimm.s32 $0x11007766;
	v38 =	vimm.s32 $0x55443322  }
0xb: {  	v39 =	vimm.s32 $0x21100770;
	v40 =	vimm.s32 $0x76655447;
	v41 =	vimm.s32 $0x32211000  }
0xc: {  	v42 =	vimm.s32 $0x33221100;
	v43 =	vimm.s32 $0x77665544;
	v44 =	vimm.s32 $0x43322110  }
0xd: {  	v47 =	vimm.s32 $0x10077661;
	v49 =	vimm.s32 $0x54433220;
	v0 =	vunpack.c.l.s4.s8 v0  }
0xe: {  	v1 =	vunpack.c.l.s4.s8 v1;
	v2 =	vunpack.c.l.s4.s8 v2;
	v3 =	vunpack.c.l.s4.s8 v3  }
0xf: {  	v4 =	vunpack.c.l.s4.s8 v4;
	v5 =	vunpack.c.l.s4.s8 v5;
	v6 =	vunpack.c.l.s4.s8 v6  }
0x10: {  	v8 =	vmul.u32 $0x80, v18;
	v7 =	vunpack.c.l.s4.s8 v7;
	v51 =	vunpack.c.l.s4.s8 v11  }
0x11: {  	v52 =	vunpack.c.l.s4.s8 v12;
	v11 =	vunpack.c.l.s4.s8 v56;
	v12 =	vunpack.c.l.s4.s8 v57  }
0x12: {  	v13 =	vunpack.c.l.s4.s8 v13;
	v14 =	vunpack.c.l.s4.s8 v14;
	v16 =	vunpack.c.l.s4.s8 v16  }
0x13: {  	v17 =	vunpack.c.l.s4.s8 v17;
	v24 =	vunpack.c.l.s4.s8 v22;
	v28 =	vshrl.u32 v18, $0x1  }
0x14: {  	v45 =	vunpack.c.l.s4.s8 v43;
	v46 =	vunpack.c.l.s4.s8 v44;
	v48 =	vunpack.c.l.s4.s8 v47  }
0x15: {  	v0 =	vunpack.c.0.s8.s32 v0;
	v1 =	vunpack.c.0.s8.s32 v1;
	v2 =	vunpack.c.0.s8.s32 v2  }
0x16: {  	v3 =	vunpack.c.0.s8.s32 v3;
	v4 =	vunpack.c.0.s8.s32 v4;
	v5 =	vunpack.c.0.s8.s32 v5  }
0x17: {  	v6 =	vunpack.c.0.s8.s32 v6;
	v7 =	vunpack.c.0.s8.s32 v7;
	v55 =	vunpack.c.0.s8.s32 v52  }
0x18: {  	v11 =	vunpack.c.0.s8.s32 v11;
	v12 =	vunpack.c.0.s8.s32 v12;
	v13 =	vunpack.c.0.s8.s32 v13  }
0x19: {  	v14 =	vunpack.c.0.s8.s32 v14;
	v16 =	vunpack.c.0.s8.s32 v16;
	v50 =	vcombine.low v1, v0  }
0x1a: {  	v60 =	vunpack.c.0.s8.s32 v17;
	v9 =	vcombine.low v3, v2;
	v10 =	vcombine.low v5, v4  }
0x1b: {  	v52 =	vimm.s32 $0x65544330;
	v54 =	vcombine.low v7, v6;
	v58 =	vcombine.low v12, v11  }
0x1c: {  	v59 =	vcombine.low v14, v13;
	v0 =	vcombine.low v0, v1;
	v62 =	vand.u32 $0xF, v16  }
0x1d: {  	[tilespmem:$0x1FE00] =	vst v8;
	v2 =	vcombine.low v2, v3;
	v63 =	vcombine.low v4, v5;
	v8 =	vand.u32 $0xF, v50  }
0x1e: {  	v21 =	vcombine.low v13, v14;
	v3 =	vunpack.c.l.s4.s8 v31;
	v9 =	vand.u32 $0xF, v9;
	[tilespmem:$0x1FE10] =	vst v8  }
0x1f: {  	v4 =	vunpack.c.l.s4.s8 v32;
	v1 =	vcombine.low v62, v60;
	v53 =	vand.u32 $0xF, v10;
	[tilespmem:$0x1FE20] =	vst v9  }
0x20: {  	v60 =	vimm.s32 $0x22110077;
	v61 =	vand.u32 $0xF, v59;
	v0 =	vand.u32 $0xF, v0;
	[tilespmem:$0x1FE30] =	vst v53  }
0x21: {  	v5 =	vand.u32 $0xF, v2;
	v27 =	vand.u32 $0xF, v21;
	v2 =	vunpack.c.l.s4.s8 v30;
	[tilespmem:$0x1FE70] =	vst v61  }
0x22: {  	v3 =	vunpack.c.0.s8.s32 v3;
	v34 =	vunpack.c.0.s8.s32 v4;
	v50 =	vunpack.c.0.s8.s32 v48;
	[tilespmem:$0x1FE80] =	vst v1  }
0x23: {  	v8 =	vunpack.c.0.s8.s32 v51;
	v9 =	vand.u32 $0xF, v54;
	[tilespmem:$0x1FE90] =	vst v0;
	v0 =	vand.u32 $0xF, v63  }
0x24: {  	[tilespmem:$0x1FEA0] =	vst v5;
	v1 =	vunpack.c.l.s4.s8 v29;
	v51 =	vimm.s32 $0x21100772;
	v53 =	vimm.s32 $0x32211003  }
0x25: {  	v5 =	vunpack.c.l.s4.s8 v33;
	v54 =	vimm.s32 $0x76655440;
	v61 =	vimm.s32 $0x66554433;
	[tilespmem:$0x1FE40] =	vst v9  }
0x26: {  	v9 =	vand.u32 $0xF, v58;
	[tilespmem:$0x1FEB0] =	vst v0;
	v0 =	vunpack.c.0.s8.s32 v24;
	v15 =	vcombine.low v55, v8  }
0x27: {  	v2 =	vunpack.c.0.s8.s32 v2;
	[tilespmem:$0x1FE60] =	vst v9;
	v9 =	vcombine.low v6, v7;
	v10 =	vcombine.low v8, v55  }
0x28: {  	v1 =	vunpack.c.0.s8.s32 v1;
	v35 =	vunpack.c.0.s8.s32 v5;
	v5 =	vunpack.c.l.s4.s8 v38  }
0x29: {  	v6 =	vunpack.c.l.s4.s8 v39;
	v7 =	vunpack.c.l.s4.s8 v40;
	v2 =	vnsel vm0, $0x1, v2  }
0x2a: {  	v8 =	vunpack.c.l.s4.s8 v41;
	v0 =	vnsel vm0, $0x0, v0;
	v2 =	vsel vm1, v3, v2  }
0x2b: {  	v15 =	vand.u32 $0xF, v15;
	v23 =	vand.u32 $0xF, v9;
	[tilespmem:$0x1FF20] =	vst v2;
	v2 =	vunpack.c.l.s4.s8 v36  }
0x2c: {  	[tilespmem:$0x1FF00] =	vst v28;
	v25 =	vand.u32 $0xF, v10;
	v0 =	vsel vm1, v1, v0;
	v3 =	vunpack.c.l.s4.s8 v37  }
0x2d: {  	[tilespmem:$0x1FEF0] =	vst v27;
	v5 =	vunpack.c.0.s8.s32 v5;
	v6 =	vunpack.c.0.s8.s32 v6;
	v2 =	vunpack.c.0.s8.s32 v2  }
0x2e: {  	v7 =	vunpack.c.0.s8.s32 v7;
	v9 =	vunpack.c.l.s4.s8 v42;
	v8 =	vunpack.c.0.s8.s32 v8;
	[tilespmem:$0x1FE50] =	vst v15  }
0x2f: {  	v1 =	vnsel vm0, $0x4, v1;
	v15 =	vcombine.low v11, v12;
	[tilespmem:$0x1FEC0] =	vst v23;
	v2 =	vnsel vm0, $0x2, v2  }
0x30: {  	[tilespmem:$0x1FF10] =	vst v0;
	v0 =	vcombine.low v34, v35;
	v2 =	vsel vm1, v6, v2;
	v6 =	vunpack.c.0.s8.s32 v46  }
0x31: {  	[tilespmem:$0x1FED0] =	vst v25;
	v3 =	vunpack.c.0.s8.s32 v3;
	v7 =	vnsel vm0, $0x3, v7;
	v9 =	vunpack.c.0.s8.s32 v9  }
0x32: {  	v26 =	vand.u32 $0xF, v15;
	[tilespmem:$0x1FF30] =	vst v2;
	v2 =	vunpack.c.0.s8.s32 v45;
	v1 =	vsel vm1, v6, v1  }
0x33: {  	v7 =	vsel vm1, v8, v7;
	v6 =	vunpack.c.l.s4.s8 v51;
	[tilespmem:$0x1FF60] =	vst v1;
	v1 =	vunpack.c.l.s4.s8 v49  }
0x34: {  	v8 =	vunpack.c.l.s4.s8 v53;
	[tilespmem:$0x1FF40] =	vst v7;
	v7 =	vunpack.c.l.s4.s8 v52;
	v2 =	vcombine.low v2, v9  }
0x35: {  	s0 =	rddreg [dreg:$0x0];
	s4 =	simm.s32 $0x0;
	[tilespmem:$0x1FEE0] =	vst v26;
	v9 =	vunpack.c.l.s4.s8 v54;
	v6 =	vunpack.c.0.s8.s32 v6;
	v1 =	vunpack.c.0.s8.s32 v1  }
0x36: {  	[smem:$0x7FF] =	sst s4;
	v8 =	vunpack.c.0.s8.s32 v8;
	v7 =	vunpack.c.0.s8.s32 v7;
	[tilespmem:$0x1FF50] =	vst v2;
	v2 =	vnsel vm0, $0x5, v50  }
0x37: {  	s1 =	srdreg.scid;
	s2 =	stileid.u32;
	v56 =	vunpack.c.0.s8.s32 v9;
	_ =	strace $0x80000047;
	v55 =	vnsel vm0, $0x6, v6;
	[tilespmem:$0x1FFC0] =	vst v0;
	v1 =	vsel vm1, v1, v2  }
0x38: {  	s16 =	simm.s32 $0x1D300;
	s17 =	simm.s32 $0x5;
	s19 =	simm.s32 $0x15100;
	v57 =	vcombine.low v35, v34;
	v58 =	vnsel vm0, $0x7, v8;
	[tilespmem:$0x1FF70] =	vst v1;
	v1 =	vsel vm1, v7, v55  }
0x39: {  	s20 =	simm.s32 $0x2800;
	s21 =	simm.s32 $0x40;
	s22 =	simm.s32 $0x5100;
	v59 =	vcombine.low v5, v3;
	v0 =	vunpack.c.l.s4.s8 v61;
	[tilespmem:$0x1FF90] =	vst v1;
	v1 =	vsel vm1, v56, v58  }
0x3a: {  	s24 =	simm.s32 $0xD100;
	s29 =	simm.s32 $0x3;
	s30 =	simm.s32 $0x4;
	vm0 =	vcmask $0xB08;
	vm1 =	vcmask $0x300;
	[tilespmem:$0x1FFB0] =	vst v1;
	v1 =	vunpack.c.l.s4.s8 v60  }
0x3b: {  	s31 =	simm.s32 $0x0;
	s1 =	sand.u32 $0x1, s1;
	s2 =	sshll.u32 s2, $0x1;
	v0 =	vunpack.c.0.s8.s32 v0;
	vm0 =	vmor vm1, vm0;
	vm1 =	vcmask $0x1310  }
0x3c: {  	s6 =	sadd.s32 $0x1F200, s0;
	s7 =	sadd.s32 $0x46400, s0;
	s2 =	sor.u32 s1, s2;
	vm0 =	vmor vm0, vm1;
	vm1 =	vcmask $0x1B18;
	v1 =	vunpack.c.0.s8.s32 v1  }
0x3d: {  	s8 =	sadd.s32 $0x1200, s0;
	s1 =	ssub.s32 $0x2, s1;
	s5 =	smul.u32 $0x2800, s2;
	v62 =	vcombine.low v3, v5;
	[tilespmem:$0x1FF80] =	vst v57;
	vm0 =	vmor vm0, vm1;
	vm1 =	vcmask $0x2320  }
0x3e: {  	s9 =	sadd.s32 $0x6D600, s0;
	s10 =	sadd.s32 $0x6D800, s0;
	s26 =	sshrl.u32 s1, $0x1;
	[tilespmem:$0x1FFA0] =	vst v59;
	vm0 =	vmor vm0, vm1;
	vm1 =	vcmask $0x2B28;
	v63 =	vcombine.low v0, v1  }
0x3f: {  	s11 =	sadd.s32 $0x77800, s0;
	s28 =	ssub.s32 s1, s26;
	s2 =	sshrl.u32 s5, $0x3;
	[tilespmem:$0x1FFD0] =	vst v62;
	vm0 =	vmor vm0, vm1;
	vm1 =	vcmask $0x3330;
	v0 =	vcombine.low v1, v0  }
0x40: {  	s15 =	smax.u32 s28, $0x1;
	s3 =	sadd.s32 s2, s0;
	s14 =	sadd.s32 s8, s2;
	vm0 =	vmor vm0, vm1;
	vm1 =	vcmask $0x3B38;
	[tilespmem:$0x1FFE0] =	vst v63  }
0x41: {  	s12 =	sadd.s32 $0x15200, s3;
	s13 =	sadd.s32 $0xB200, s3;
	[dreg:$0x4] =	wrdreg s9;
	[tilespmem:$0x1FFF0] =	vst v0;
	vm0 =	vmor vm0, vm1  }
.LBB2_1:
0x42: {  	s0 =	rddreg [dreg:$0x2]  }
0x43: {  	[tilespmem:s16], [sflag:$0x5] =	stream.linear.gather [hbm4b:s0+s4], $0x80, $0x38;
	[tilespmem:$0x1DC00] =	vst v63  }
0x44: {  	_ =	swait.ge [sflag:s17], $0x80  }
0x45: {  	[sflag:s17] =	ssyncset.done $0x0  }
0x46: {  	s1 =	simm.s32 $0x1D380;
	s23 =	rddreg [dreg:$0x4];
	[sflag:s17] =	ssyncadd.s32 $0xFFFFFF80  }
0x47: {  	[tilespmem:s1], [sflag:$0x5] =	stream.linear.gather [hbm4b:s23+s4], $0x80, $0x38;
	[tilespmem:$0x1DC00] =	vst v63  }
0x48: {  	_ =	swait.ge [sflag:s17], $0x80  }
0x49: {  	[sflag:s17] =	ssyncset.done $0x0  }
0x4a: {  	[sflag:s17] =	ssyncadd.s32 $0xFFFFFF80  }
0x4b: {  	s25 =	rddreg [dreg:$0x1]  }
0x4c: {  	[tilespmem:s19], [sflag:$0x5] =	stream.linear.gather [hbm4b:s25+s4], $0x8000, $0x38;
	[tilespmem:$0x1DC00] =	vst v63  }
0x4d: {  	_ =	swait.ge [sflag:s17], $0x8000  }
0x4e: {  	[sflag:s17] =	ssyncset.done $0x0  }
0x4f: {  	[sflag:s17] =	ssyncadd.s32 $0xFFFF8000  }
0x50: {  	[tilespmem:s4], [sflag:$0x5] =	stream.linear.gather [hbm4b:s12+s4], $0x2800, $0x38;
	[tilespmem:$0x1DC00] =	vst v63  }
0x51: {  	v0 =	vadd.s32 s4, v18;
	_ =	swait.ge [sflag:s17], $0x2800  }
0x52: {  	s26 =	sand.u32 $0x70, s4;
	v0 =	vand.u32 $0xF, v0;
	[sflag:s17] =	ssyncset.done $0x0  }
0x53: {  	v0 =	vor.u32 s26, v0;
	[sflag:s17] =	ssyncadd.s32 $0xFFFFD800  }
0x54: {  	[tilespmem:s20], [sflag:$0x5] =	stream.linear.gather [hbm4b:s13+s4], $0x2800, $0x38;
	[tilespmem:$0x1DC00] =	vst v63  }
0x55: {  	_ =	swait.ge [sflag:s17], $0x2800  }
0x56: {  	s28 =	simm.s32 $0x1;
	[sflag:s17] =	ssyncset.done $0x0  }
0x57: {  	v1 =	vadd.s32 s28, v18;
	[sflag:s17] =	ssyncadd.s32 $0xFFFFD800  }
0x58: {  	s0 =	sand.u32 $0x70, s28;
	v2 =	vld.idx.msk [tilespmem:v0+s16+$0x0], $0xffff;
	v0 =	vand.u32 $0xF, v1  }
0x59: {  	v1 =	vor.u32 s0, v0;
	_ =	sdelay $0x2  }
0x5a: {  	s0 =	simm.s32 $0x1D400  }
0x5b: {  	s1 =	simm.s32 $0x2;
	v0 =	vld [tilespmem:$0x1D380];
	[tilespmem:s0+$0x0] =	vst v2  }
0x5c: {  	s2 =	simm.s32 $0x3;
	v2 =	vadd.s32 s1, v18;
	v1 =	vld.idx.msk [tilespmem:v1+s16+$0x0], $0xffff  }
.LBB2_2:
0x5d: {  	p0 =	sne.s32 s2, $0x7F;
	s3 =	sand.u32 $0x70, s1;
	v2 =	vand.u32 $0xF, v2;
	s1 =	smov.u32 s2  }
0x5e: {  	v3 =	vor.u32 s3, v2  }
.Ltmp0:
0x5f: {  	(pc) =	sbr.rel @p0 .LBB2_2-.Ltmp0, $4  }
0x60: {  	_ = 	snop  }
0x61: {  	s0 =	sadd.s32 $0x10, s0  }
0x62: {  	[tilespmem:s0+$0x0] =	vst v1  }
0x63: {  	s2 =	sadd.s32 $0x1, s2;
	v2 =	vadd.s32 s1, v18;
	v1 =	vld.idx.msk [tilespmem:v3+s16+$0x0], $0xffff  }
0x64: {  	s1 =	sand.u32 $0x70, s1;
	v2 =	vand.u32 $0xF, v2  }
0x65: {  	v2 =	vor.u32 s1, v2;
	_ =	sdelay $0x2  }
0x66: {  	s0 =	sadd.s32 $0x10, s0  }
0x67: {  	[tilespmem:s0+$0x0] =	vst v1  }
0x68: {  	v1 =	vld.idx.msk [tilespmem:v2+s16+$0x0], $0xffff;
	_ =	sdelay $0x3  }
0x69: {  	s0 =	sadd.s32 $0x10, s0  }
0x6a: {  	s2 =	simm.s32 $0x0;
	[tilespmem:s0+$0x0] =	vst v1  }
0x6b: {  	[tilespmem:s22], [sflag:$0x1] =	stream.indirect.gather [hbm4b:s6+s21], $0x80, s2, s21, $0xb8;
	[tilespmem:$0x1DC00] =	vst v63  }
0x6c: {  	s23 =	simm.s32 $0x7100  }
0x6d: {  	[tilespmem:s23], [sflag:$0x1] =	stream.indirect.gather [hbm4b:s6+s21], $0x80, s21, s21, $0xb8;
	[tilespmem:$0x1DC00] =	vst v63  }
0x6e: {  	_ = 	snop  }
0x6f: {  	[tilespmem:s24], [sflag:$0x1] =	stream.indirect.gather [hbm4b:s7+s21], $0x80, s20, s21, $0xb8;
	[tilespmem:$0x1DC00] =	vst v63  }
0x70: {  	s25 =	simm.s32 $0x2840;
	s26 =	simm.s32 $0xF100;
	v0 =	vbroadcast v0, $0x0  }
0x71: {  	[tilespmem:s26], [sflag:$0x1] =	stream.indirect.gather [hbm4b:s7+s21], $0x80, s25, s21, $0xb8;
	[tilespmem:$0x1DC00] =	vst v63  }
0x72: {  	s28 =	simm.s32 $0x5000;
	[tilespmem:$0x1FDF0] =	vst v0  }
0x73: {  	[tilespmem:s28], [sflag:$0x1] =	stream.linear.gather [hbm4b:s14+s2], $0x80, $0x38;
	[tilespmem:$0x1DC00] =	vst v63  }
.LBB2_4:
0x74: {  	s1 =	sadd.s32 $0x1, s2;
	p0 =	seq.s32 s2, $0x4F  }
0x75: {  	s3 =	sand.u32 @!p0 $0x1, s1  }
0x76: {  	s0 =	sshll.u32 @!p0 s1, $0x7;
	s9 =	sshll.u32 @!p0 s3, $0xE  }
0x77: {  	s25 =	simm.s32 @!p0 $0x40;
	s23 =	sadd.s32 @!p0 $0x1, s3;
	s18 =	sadd.s32 @!p0 $0x5100, s9  }
0x78: {  	[tilespmem:s18], [sflag:s23] =	stream.indirect.gather @!p0 [hbm4b:s6+s25], $0x80, s0, s25, $0xb8;
	[tilespmem:$0x1DC00] =	vst v63  }
0x79: {  	s26 =	sadd.s32 @!p0 $0x7100, s9;
	s18 =	sor.u32 @!p0 $0x40, s0  }
0x7a: {  	[tilespmem:s26], [sflag:s23] =	stream.indirect.gather @!p0 [hbm4b:s6+s25], $0x80, s18, s25, $0xb8;
	[tilespmem:$0x1DC00] =	vst v63  }
0x7b: {  	s18 =	sadd.s32 @!p0 $0xD100, s9;
	s26 =	sadd.s32 @!p0 $0x2800, s0  }
0x7c: {  	[tilespmem:s18], [sflag:s23] =	stream.indirect.gather @!p0 [hbm4b:s7+s25], $0x80, s26, s25, $0xb8;
	[tilespmem:$0x1DC00] =	vst v63  }
0x7d: {  	s9 =	sadd.s32 @!p0 $0xF100, s9;
	s18 =	sadd.s32 @!p0 $0x2840, s0  }
0x7e: {  	[tilespmem:s9], [sflag:s23] =	stream.indirect.gather @!p0 [hbm4b:s7+s25], $0x80, s18, s25, $0xb8;
	[tilespmem:$0x1DC00] =	vst v63  }
0x7f: {  	s3 =	sshll.u32 @!p0 s3, $0x7;
	s9 =	sadd.s32 @!p0 s5, s0  }
0x80: {  	s3 =	sor.u32 @!p0 $0x5000, s3;
	s0 =	sand.u32 $0x1, s2;
	s9 =	sshrl.u32 @!p0 s9, $0x3  }
0x81: {  	s18 =	simm.s32 @!p0 $0x0;
	s28 =	sadd.s32 $0x1, s0;
	s9 =	sadd.s32 @!p0 s8, s9  }
0x82: {  	[tilespmem:s3], [sflag:s23] =	stream.linear.gather @!p0 [hbm4b:s9+s18], $0x80, $0x38;
	[tilespmem:$0x1DC00] =	vst v63  }
0x83: {  	_ =	swait.ge [sflag:s28], $0x2000  }
0x84: {  	[sflag:s28] =	ssyncset.done $0x0  }
0x85: {  	[sflag:s28] =	ssyncadd.s32 $0xFFFFE000  }
0x86: {  	_ =	swait.ge [sflag:s28], $0x2000  }
0x87: {  	[sflag:s28] =	ssyncset.done $0x0  }
0x88: {  	[sflag:s28] =	ssyncadd.s32 $0xFFFFE000  }
0x89: {  	_ =	swait.ge [sflag:s28], $0x2000  }
0x8a: {  	[sflag:s28] =	ssyncset.done $0x0  }
0x8b: {  	[sflag:s28] =	ssyncadd.s32 $0xFFFFE000  }
0x8c: {  	_ =	swait.ge [sflag:s28], $0x2000  }
0x8d: {  	[sflag:s28] =	ssyncset.done $0x0  }
0x8e: {  	[sflag:s28] =	ssyncadd.s32 $0xFFFFE000  }
0x8f: {  	_ =	swait.ge [sflag:s28], $0x80  }
0x90: {  	p0 =	slt.u32 s2, $0x2;
	[sflag:s28] =	ssyncset.done $0x0  }
0x91: {  	s9 =	sadd.s32 @!p0 $0x3, s0;
	[sflag:s28] =	ssyncadd.s32 $0xFFFFFF80  }
0x92: {  	_ =	swait.ge @!p0 [sflag:s9], $0x80  }
0x93: {  	[sflag:s9] =	ssyncset.done @!p0 $0x0  }
0x94: {  	[sflag:s9] =	ssyncadd.s32 @!p0 $0xFFFFFF80  }
0x95: {  	s3 =	sshll.u32 s0, $0x7;
	_ =	swait.ge @!p0 [sflag:s9], $0x80  }
0x96: {  	v0 =	vmov s3;
	[sflag:s9] =	ssyncset.done @!p0 $0x0  }
0x97: {  	s18 =	simm.s32 $0x0;
	[tilespmem:$0x1FDE0] =	vst v0;
	[sflag:s9] =	ssyncadd.s32 @!p0 $0xFFFFFF80  }
.LBB2_5:
0x98: {  	v2 =	vld [tilespmem:$0x1FE00]  }
0x99: {  	s9 =	sshll.u32 s18, $0x4  }
0x9a: {  	s23 =	sadd.s32 s3, s9  }
0x9b: {  	v0 =	vmov s23  }
0x9c: {  	v0 =	vshll.u32 v0, $0x7  }
0x9d: {  	v6 =	vor.u32 v2, v0;
	v0 =	vld [tilespmem:$0x1FE70];
	_ =	sdelay $0x4  }
0x9e: {  	s25 =	simm.s32 $0x0;
	v2 =	vor.u32 v0, v6  }
0x9f: {  	[tilespmem:$0x1FD40] =	vst v2;
	v7 =	vor.u32 s25, v2;
	v2 =	vld [tilespmem:$0x1FE50];
	_ =	sdelay $0x1  }
0xa0: {  	v1 =	vld [tilespmem:$0x1FDE0];
	_ =	sdelay $0x2  }
0xa1: {  	v2 =	vor.u32 v2, v6  }
0xa2: {  	[tilespmem:$0x1FD60] =	vst v2;
	v12 =	vor.u32 s25, v2;
	v2 =	vld [tilespmem:$0x1FE80];
	_ =	sdelay $0x3  }
0xa3: {  	v1 =	vld.idx.msk [tilespmem:v1+s9+$0x5000 ss:$0x1], $0xffff  }
0xa4: {  	v13 =	vor.u32 v2, v6;
	v2 =	vld [tilespmem:$0x1FE40]  }
0xa5: {  	v17 =	vld [tilespmem:$0x1FF40]  }
0xa6: {  	v19 =	vld [tilespmem:$0x1FF20];
	_ =	sdelay $0x1  }
0xa7: {  	v22 =	vld [tilespmem:$0x1FE10]  }
0xa8: {  	v14 =	vor.u32 v2, v6;
	v2 =	vshll.u32 v1, $0x6  }
0xa9: {  	v20 =	vor.u32 v17, v2  }
0xaa: {  	v21 =	vor.u32 v19, v2;
	[tilespmem:$0x1FDB0] =	vst v20  }
0xab: {  	v19 =	vor.u32 s25, v20;
	[tilespmem:$0x1FDC0] =	vst v21;
	v20 =	vor.u32 s25, v21;
	v21 =	vld [tilespmem:$0x1FF00]  }
0xac: {  	v24 =	vor.u32 v22, v6;
	v22 =	vld [tilespmem:$0x1FE20];
	_ =	sdelay $0x3  }
0xad: {  	v23 =	vor.u32 v21, v2  }
0xae: {  	[tilespmem:$0x1FDD0] =	vst v23;
	v58 =	vor.u32 s25, v23;
	v23 =	vor.u32 v22, v6;
	v22 =	vld [tilespmem:$0x1FE30];
	_ =	sdelay $0x4  }
0xaf: {  	v25 =	vor.u32 v22, v6;
	v22 =	vld [tilespmem:$0x1FE60];
	_ =	sdelay $0x4  }
0xb0: {  	v48 =	vor.u32 v22, v6;
	v22 =	vld [tilespmem:$0x1FE90];
	_ =	sdelay $0x4  }
0xb1: {  	v49 =	vor.u32 v22, v6;
	v22 =	vld [tilespmem:$0x1FF10];
	_ =	sdelay $0x4  }
0xb2: {  	v50 =	vor.u32 v22, v2;
	v22 =	vld [tilespmem:$0x1FEA0];
	_ =	sdelay $0x4  }
0xb3: {  	v51 =	vor.u32 v22, v6;
	v22 =	vld [tilespmem:$0x1FEB0];
	_ =	sdelay $0x4  }
0xb4: {  	v52 =	vor.u32 v22, v6;
	v22 =	vld [tilespmem:$0x1FEC0];
	_ =	sdelay $0x4  }
0xb5: {  	v53 =	vor.u32 v22, v6;
	v22 =	vld [tilespmem:$0x1FED0];
	_ =	sdelay $0x4  }
0xb6: {  	v54 =	vor.u32 v22, v6;
	v22 =	vld [tilespmem:$0x1FEE0];
	_ =	sdelay $0x4  }
0xb7: {  	v55 =	vor.u32 v22, v6;
	v22 =	vld [tilespmem:$0x1FEF0]  }
0xb8: {  	s26 =	simm.s32 $0x1D480;
	v15 =	vld [tilespmem:$0x1FFA0]  }
0xb9: {  	v4 =	vld [tilespmem:s26+$0x0]  }
0xba: {  	v8 =	vld [tilespmem:s26+$0xFFFFFF90]  }
0xbb: {  	v10 =	vld [tilespmem:s26+$0xFFFFFF80]  }
0xbc: {  	v3 =	vor.u32 v18, v6;
	v56 =	vor.u32 v22, v6;
	v6 =	vld [tilespmem:$0x1FF80]  }
0xbd: {  	v11 =	vld [tilespmem:s26+$0xFFFFFFA0]  }
0xbe: {  	v5 =	vld [tilespmem:s26+$0xFFFFFFF0]  }
0xbf: {  	v34 =	vld [tilespmem:s26+$0xFFFFFFC0]  }
0xc0: {  	[tilespmem:$0x1FD50] =	vst v3;
	v9 =	vor.u32 s25, v3;
	v3 =	vld [tilespmem:s26+$0xFFFFFFE0]  }
0xc1: {  	v47 =	vmov v23;
	v57 =	vor.u32 v6, v2;
	v6 =	vor.u32 s25, v23;
	v23 =	vld [tilespmem:$0x1FFE0]  }
0xc2: {  	v0 =	vld [tilespmem:s26+$0xFFFFFFB0]  }
0xc3: {  	[tilespmem:$0x1FD70] =	vst v13;
	v1 =	vor.u32 s25, v13;
	v13 =	vld [tilespmem:$0x1FF30];
	v18 =	vor.u32 v15, v2  }
0xc4: {  	[tilespmem:$0x1FDA0] =	vst v18;
	v17 =	vor.u32 s25, v18;
	v18 =	vld.idx.msk [tilespmem:v12+s24+$0x0], $0xffff  }
0xc5: {  	v22 =	vld.idx.msk [tilespmem:v58+s19+$0x0], $0xffff  }
0xc6: {  	v58 =	vor.u32 v23, v2;
	v23 =	vld [tilespmem:$0x1FF50]  }
0xc7: {  	v12 =	vld.idx.msk [tilespmem:v12+s22+$0x0], $0xffff  }
0xc8: {  	[tilespmem:$0x1FD80] =	vst v14;
	v16 =	vor.u32 v13, v2;
	v13 =	vor.u32 s25, v14;
	v14 =	vld.idx.msk [tilespmem:v7+s22+$0x0], $0xffff  }
0xc9: {  	v63 =	vld.idx.msk [tilespmem:v1+s22+$0x0], $0xffff  }
0xca: {  	v7 =	vld.idx.msk [tilespmem:v7+s24+$0x0], $0xffff;
	v62 =	vor.u32 s25, v50  }
0xcb: {  	v61 =	vor.u32 s25, v24;
	v59 =	vor.u32 v23, v2;
	v23 =	vld [tilespmem:$0x1FF60]  }
0xcc: {  	v1 =	vld.idx.msk [tilespmem:v1+s24+$0x0], $0xffff  }
0xcd: {  	[tilespmem:$0x1FD90] =	vst v16;
	v15 =	vor.u32 s25, v16;
	v16 =	vld.idx.msk [tilespmem:v9+s24+$0x0], $0xffff  }
0xce: {  	v9 =	vld.idx.msk [tilespmem:v9+s22+$0x0], $0xffff  }
0xcf: {  	v62 =	vld.idx.msk [tilespmem:v62+s19+$0x0], $0xffff  }
0xd0: {  	v60 =	vor.u32 v23, v2;
	v23 =	vld.idx.msk [tilespmem:v61+s24+$0x0], $0xffff  }
0xd1: {  	v61 =	vld.idx.msk [tilespmem:v61+s22+$0x0], $0xffff  }
0xd2: {  	v17 =	vld.idx.msk [tilespmem:v17+s19+$0x0], $0xffff  }
0xd3: {  	v19 =	vld.idx.msk [tilespmem:v19+s19+$0x0], $0xffff  }
0xd4: {  	v20 =	vld.idx.msk [tilespmem:v20+s19+$0x0], $0xffff;
	v37 =	vor.u32 s25, v57  }
0xd5: {  	v21 =	vld.idx.msk [tilespmem:v13+s24+$0x0], $0xffff;
	v45 =	vmov v25;
	v25 =	vor.u32 s25, v25  }
0xd6: {  	v15 =	vld.idx.msk [tilespmem:v15+s19+$0x0], $0xffff;
	v40 =	vunpack.i.u.bf16.f32 v62;
	v62 =	vunpack.i.l.bf16.f32 v62;
	v23 =	vadd.f32 v23, v61  }
0xd7: {  	v9 =	vadd.f32 v16, v9;
	v39 =	vld.idx.msk [tilespmem:v6+s24+$0x0], $0xffff;
	v61 =	vsel vm0, v40, v62  }
0xd8: {  	v16 =	vunpack.i.u.bf16.f32 v22;
	v22 =	vunpack.i.l.bf16.f32 v22;
	v6 =	vld.idx.msk [tilespmem:v6+s22+$0x0], $0xffff;
	v23 =	vadd.f32 v61, v23  }
0xd9: {  	v46 =	vmovc v24;
	v7 =	vadd.f32 v7, v14;
	v38 =	vor.u32 s25, v48;
	v16 =	vsel vm0, v22, v16;
	v24 =	vld.idx.msk [tilespmem:v37+s19+$0x0], $0xffff  }
0xda: {  	v41 =	vunpack.i.u.bf16.f32 v20;
	v9 =	vadd.f32 v16, v9;
	v16 =	vld.idx.msk [tilespmem:v25+s24+$0x0], $0xffff;
	v23 =	vmax.f32 v23, $0.0e+00  }
0xdb: {  	v26 =	vunpack.i.u.bf16.f32 v15;
	v15 =	vunpack.i.l.bf16.f32 v15;
	v8 =	vmul.f32 v23, v8;
	v23 =	vld [tilespmem:$0x1FFC0]  }
0xdc: {  	v20 =	vunpack.i.l.bf16.f32 v20;
	v15 =	vsel vm0, v26, v15;
	v33 =	vor.u32 s25, v53;
	v25 =	vld.idx.msk [tilespmem:v25+s22+$0x0], $0xffff  }
0xdd: {  	v13 =	vld.idx.msk [tilespmem:v13+s22+$0x0], $0xffff;
	v14 =	vor.u32 s25, v52;
	v22 =	vunpack.i.u.bf16.f32 v19;
	v19 =	vunpack.i.l.bf16.f32 v19  }
0xde: {  	v28 =	vld.idx.msk [tilespmem:v38+s24+$0x0], $0xffff;
	v6 =	vadd.f32 v39, v6;
	v42 =	vunpack.i.u.bf16.f32 v24;
	v24 =	vunpack.i.l.bf16.f32 v24  }
0xdf: {  	v26 =	vld.idx.msk [tilespmem:v38+s22+$0x0], $0xffff;
	v19 =	vsel vm0, v22, v19;
	v22 =	vor.u32 s25, v58;
	v24 =	vsel vm0, v24, v42  }
0xe0: {  	v29 =	vor.u32 s25, v59;
	v6 =	vadd.f32 v24, v6;
	v61 =	vor.u32 v23, v2;
	v23 =	vld [tilespmem:$0x1FF70]  }
0xe1: {  	v20 =	vsel vm0, v41, v20;
	v38 =	vld.idx.msk [tilespmem:v33+s24+$0x0], $0xffff;
	v16 =	vadd.f32 v16, v25  }
0xe2: {  	v43 =	vor.u32 s25, v49;
	v7 =	vadd.f32 v19, v7;
	v19 =	vld.idx.msk [tilespmem:v14+s22+$0x0], $0xffff;
	v6 =	vmax.f32 v6, $0.0e+00  }
0xe3: {  	v6 =	vmul.f32 v6, v11;
	v11 =	vadd.f32 v20, v16;
	v20 =	vld [tilespmem:$0x1FDF0]  }
0xe4: {  	v13 =	vadd.f32 v21, v13;
	v22 =	vld.idx.msk [tilespmem:v22+s19+$0x0], $0xffff;
	v21 =	vor.u32 s25, v60  }
0xe5: {  	v9 =	vmax.f32 v9, $0.0e+00;
	v62 =	vor.u32 v23, v2;
	v23 =	vld.idx.msk [tilespmem:v29+s19+$0x0], $0xffff  }
0xe6: {  	v12 =	vadd.f32 v18, v12;
	v14 =	vld.idx.msk [tilespmem:v14+s24+$0x0], $0xffff;
	v9 =	vmul.f32 v9, v10  }
0xe7: {  	v44 =	vor.u32 s25, v51;
	v16 =	vld.idx.msk [tilespmem:v43+s22+$0x0], $0xffff  }
0xe8: {  	v12 =	vadd.f32 v15, v12;
	v9 =	vadd.f32 v9, v20;
	v20 =	vld.idx.msk [tilespmem:v43+s24+$0x0], $0xffff  }
0xe9: {  	v15 =	vunpack.i.u.bf16.f32 v22;
	v22 =	vunpack.i.l.bf16.f32 v22;
	v21 =	vld.idx.msk [tilespmem:v21+s19+$0x0], $0xffff;
	v18 =	vor.u32 s25, v61  }
0xea: {  	v10 =	vld [tilespmem:s26+$0x10];
	v15 =	vsel vm0, v22, v15;
	v22 =	vunpack.i.u.bf16.f32 v23;
	v23 =	vunpack.i.l.bf16.f32 v23  }
0xeb: {  	v22 =	vsel vm0, v23, v22;
	v23 =	vld [tilespmem:$0x1FFD0]  }
0xec: {  	v1 =	vadd.f32 v1, v63;
	v27 =	vunpack.i.u.bf16.f32 v17;
	v17 =	vunpack.i.l.bf16.f32 v17;
	v24 =	vld.idx.msk [tilespmem:v44+s24+$0x0], $0xffff  }
0xed: {  	v17 =	vsel vm0, v17, v27;
	v11 =	vmax.f32 v11, $0.0e+00;
	v8 =	vadd.f32 v8, v9;
	v9 =	vld.idx.msk [tilespmem:v44+s22+$0x0], $0xffff  }
0xee: {  	v16 =	vadd.f32 v20, v16;
	v20 =	vunpack.i.u.bf16.f32 v21;
	v21 =	vunpack.i.l.bf16.f32 v21;
	v18 =	vld.idx.msk [tilespmem:v18+s19+$0x0], $0xffff  }
0xef: {  	v6 =	vadd.f32 v6, v8;
	v35 =	vor.u32 s25, v62;
	v22 =	vadd.f32 v22, v1;
	v1 =	vld [tilespmem:$0x1FFF0]  }
0xf0: {  	v8 =	vor.u32 s25, v54;
	v63 =	vor.u32 v23, v2;
	v23 =	vmul.f32 v11, v0;
	v0 =	vld [tilespmem:$0x1FF90]  }
0xf1: {  	v12 =	vmax.f32 v12, $0.0e+00;
	v32 =	vadd.f32 v28, v26;
	v37 =	vld [tilespmem:$0x1FFB0];
	v20 =	vsel vm0, v20, v21  }
0xf2: {  	v14 =	vadd.f32 v14, v19;
	v40 =	vld [tilespmem:s26+$0xFFFFFFD0];
	v16 =	vadd.f32 v20, v16;
	v11 =	vor.u32 s25, v63  }
0xf3: {  	v7 =	vmax.f32 v7, $0.0e+00;
	v21 =	vld.idx.msk [tilespmem:v33+s22+$0x0], $0xffff;
	v20 =	vadd.f32 v24, v9;
	v9 =	vadd.f32 v17, v13  }
0xf4: {  	v36 =	vld.idx.msk [tilespmem:v35+s19+$0x0], $0xffff;
	v13 =	vunpack.i.u.bf16.f32 v18;
	v17 =	vunpack.i.l.bf16.f32 v18;
	v1 =	vor.u32 v1, v2  }
0xf5: {  	v13 =	vsel vm0, v17, v13;
	v17 =	vld.idx.msk [tilespmem:v8+s22+$0x0], $0xffff;
	v41 =	vor.u32 s25, v1;
	v0 =	vor.u32 v0, v2  }
0xf6: {  	v42 =	vmul.f32 v7, v5;
	v5 =	vor.u32 s25, v56;
	v8 =	vld.idx.msk [tilespmem:v8+s24+$0x0], $0xffff;
	v39 =	vor.u32 s25, v0  }
0xf7: {  	v15 =	vadd.f32 v15, v32;
	v18 =	vld.idx.msk [tilespmem:v11+s19+$0x0], $0xffff;
	v11 =	vmax.f32 v22, $0.0e+00;
	v22 =	vor.u32 s25, v55  }
0xf8: {  	v16 =	vmax.f32 v16, $0.0e+00;
	v9 =	vmax.f32 v9, $0.0e+00;
	v13 =	vadd.f32 v13, v20;
	v20 =	vld [tilespmem:s26+$0x30]  }
0xf9: {  	v21 =	vadd.f32 v38, v21;
	v19 =	vmul.f32 v9, v34;
	v11 =	vmul.f32 v11, v4;
	v4 =	vld [tilespmem:s26+$0x20]  }
0xfa: {  	v9 =	vmul.f32 v16, v10;
	v10 =	vunpack.i.u.bf16.f32 v36;
	v16 =	vunpack.i.l.bf16.f32 v36;
	v44 =	vld.idx.msk [tilespmem:v41+s19+$0x0], $0xffff  }
0xfb: {  	v7 =	vsel vm0, v10, v16;
	v6 =	vadd.f32 v23, v6;
	v2 =	vor.u32 v37, v2;
	v10 =	vld.idx.msk [tilespmem:v39+s19+$0x0], $0xffff  }
0xfc: {  	v13 =	vmax.f32 v13, $0.0e+00;
	v7 =	vadd.f32 v7, v14;
	v16 =	vor.u32 s25, v2;
	v43 =	vld.idx.msk [tilespmem:v22+s22+$0x0], $0xffff  }
0xfd: {  	v6 =	vadd.f32 v19, v6;
	v23 =	vunpack.i.u.bf16.f32 v18;
	v18 =	vunpack.i.l.bf16.f32 v18;
	v22 =	vld.idx.msk [tilespmem:v22+s24+$0x0], $0xffff  }
0xfe: {  	v14 =	vsel vm0, v18, v23;
	v18 =	vmul.f32 v12, v40;
	v23 =	vld [tilespmem:s26+$0x40];
	v12 =	vmax.f32 v15, $0.0e+00  }
0xff: {  	v17 =	vadd.f32 v8, v17;
	v15 =	vmul.f32 v13, v4;
	v4 =	vmul.f32 v12, v3;
	v3 =	vld.idx.msk [tilespmem:v5+s22+$0x0], $0xffff  }
0x100: {  	v7 =	vmax.f32 v7, $0.0e+00;
	v13 =	vadd.f32 v14, v21;
	v14 =	vld.idx.msk [tilespmem:v5+s24+$0x0], $0xffff;
	v6 =	vadd.f32 v18, v6  }
0x101: {  	v12 =	vmul.f32 v7, v20;
	v5 =	vld.idx.msk [tilespmem:v16+s19+$0x0], $0xffff;
	v7 =	vunpack.i.u.bf16.f32 v10;
	v8 =	vunpack.i.l.bf16.f32 v10  }
0x102: {  	v20 =	vunpack.i.l.bf16.f32 v44;
	v4 =	vadd.f32 v4, v6;
	v10 =	vsel vm0, v7, v8;
	v7 =	vld [tilespmem:s26+$0x70]  }
0x103: {  	v18 =	vadd.f32 v22, v43;
	v8 =	vmax.f32 v13, $0.0e+00;
	v16 =	vadd.f32 v10, v17;
	v10 =	vld [tilespmem:s26+$0x60]  }
0x104: {  	s28 =	simm.s32 $0x1D580;
	s25 =	simm.s32 $0x8;
	v6 =	vunpack.i.u.bf16.f32 v44;
	v8 =	vmul.f32 v8, v23;
	v19 =	vadd.f32 v42, v4;
	v17 =	vld [tilespmem:s26+$0x50];
	s26 =	simm.s32 $0x10  }
.LBB2_6:
0x105: {  	v4 =	vld [tilespmem:$0x1FD50]  }
0x106: {  	v20 =	vsel vm0, v20, v6;
	v6 =	vld [tilespmem:$0x1FDC0]  }
0x107: {  	v23 =	vld [tilespmem:$0x1FDB0]  }
0x108: {  	v29 =	vld [tilespmem:$0x1FD90]  }
0x109: {  	v34 =	vld [tilespmem:$0x1FD70]  }
0x10a: {  	v18 =	vadd.f32 v20, v18;
	v20 =	vld [tilespmem:$0x1FD60]  }
0x10b: {  	v27 =	vor.u32 s26, v46;
	v24 =	vadd.f32 v14, v3;
	v3 =	vld [tilespmem:$0x1FDD0]  }
0x10c: {  	v14 =	vld [tilespmem:s28+$0xFFFFFF90]  }
0x10d: {  	v33 =	vor.u32 s26, v47;
	v31 =	vunpack.i.u.bf16.f32 v5;
	v32 =	vunpack.i.l.bf16.f32 v5;
	v5 =	vld [tilespmem:s28+$0xFFFFFFF0]  }
0x10e: {  	s9 =	smov.u32 s25;
	v21 =	vor.u32 s26, v4;
	v4 =	vld [tilespmem:$0x1FD40]  }
0x10f: {  	v22 =	vor.u32 s9, v6;
	v6 =	vld [tilespmem:s28+$0xFFFFFFB0]  }
0x110: {  	v30 =	vor.u32 s9, v50;
	v36 =	vld.idx.msk [tilespmem:v27+s24+$0x0], $0xffff  }
0x111: {  	v27 =	vld.idx.msk [tilespmem:v27+s22+$0x0], $0xffff  }
0x112: {  	v34 =	vor.u32 s26, v34;
	v39 =	vld.idx.msk [tilespmem:v33+s24+$0x0], $0xffff  }
0x113: {  	v25 =	vor.u32 s9, v3;
	v3 =	vld [tilespmem:$0x1FD80]  }
0x114: {  	v31 =	vsel vm0, v31, v32;
	v32 =	vld.idx.msk [tilespmem:v33+s22+$0x0], $0xffff;
	v20 =	vor.u32 s26, v20  }
0x115: {  	v16 =	vmax.f32 v16, $0.0e+00;
	v30 =	vld.idx.msk [tilespmem:v30+s19+$0x0], $0xffff  }
0x116: {  	v16 =	vmul.f32 v16, v17;
	v17 =	vmax.f32 v18, $0.0e+00;
	v44 =	vld.idx.msk [tilespmem:v21+s24+$0x0], $0xffff  }
0x117: {  	v10 =	vmul.f32 v17, v10;
	v13 =	vor.u32 s26, v4;
	v17 =	vld.idx.msk [tilespmem:v34+s22+$0x0], $0xffff  }
0x118: {  	v22 =	vld.idx.msk [tilespmem:v22+s19+$0x0], $0xffff;
	v26 =	vor.u32 s26, v3;
	v3 =	vadd.f32 v11, v19  }
0x119: {  	v18 =	vld.idx.msk [tilespmem:v20+s22+$0x0], $0xffff  }
0x11a: {  	v11 =	vld [tilespmem:$0x1FDA0];
	v9 =	vadd.f32 v9, v3  }
0x11b: {  	v25 =	vld.idx.msk [tilespmem:v25+s19+$0x0], $0xffff  }
0x11c: {  	v23 =	vor.u32 s9, v23;
	v9 =	vadd.f32 v15, v9;
	v15 =	vld.idx.msk [tilespmem:v13+s22+$0x0], $0xffff  }
0x11d: {  	v29 =	vor.u32 s9, v29;
	v13 =	vld.idx.msk [tilespmem:v13+s24+$0x0], $0xffff  }
0x11e: {  	v9 =	vadd.f32 v12, v9;
	v12 =	vadd.f32 v31, v24;
	v31 =	vld.idx.msk [tilespmem:v20+s24+$0x0], $0xffff  }
0x11f: {  	v28 =	vor.u32 s9, v11;
	v20 =	vld.idx.msk [tilespmem:v26+s24+$0x0], $0xffff  }
0x120: {  	v24 =	vor.u32 s26, v45;
	v26 =	vld.idx.msk [tilespmem:v26+s22+$0x0], $0xffff;
	v8 =	vadd.f32 v8, v9;
	v12 =	vmax.f32 v12, $0.0e+00  }
0x121: {  	v7 =	vmul.f32 v12, v7;
	v12 =	vld.idx.msk [tilespmem:v23+s19+$0x0], $0xffff  }
0x122: {  	v8 =	vadd.f32 v16, v8;
	v16 =	vld.idx.msk [tilespmem:v29+s19+$0x0], $0xffff  }
0x123: {  	v35 =	vor.u32 s9, v57;
	v29 =	vld.idx.msk [tilespmem:v34+s24+$0x0], $0xffff  }
0x124: {  	v38 =	vunpack.i.u.bf16.f32 v22;
	v22 =	vunpack.i.l.bf16.f32 v22;
	v8 =	vadd.f32 v10, v8;
	v10 =	vld.idx.msk [tilespmem:v28+s19+$0x0], $0xffff  }
0x125: {  	v41 =	vor.u32 s26, v53;
	v42 =	vor.u32 s9, v63;
	v22 =	vsel vm0, v38, v22;
	v33 =	vld.idx.msk [tilespmem:v24+s24+$0x0], $0xffff  }
0x126: {  	v38 =	vor.u32 s26, v54;
	v23 =	vor.u32 s26, v48;
	v13 =	vadd.f32 v13, v15;
	v24 =	vld.idx.msk [tilespmem:v24+s22+$0x0], $0xffff  }
0x127: {  	v28 =	vadd.f32 v7, v8;
	v7 =	vunpack.i.u.bf16.f32 v16;
	v8 =	vunpack.i.l.bf16.f32 v16;
	v16 =	vld.idx.msk [tilespmem:v21+s22+$0x0], $0xffff  }
0x128: {  	v35 =	vld.idx.msk [tilespmem:v35+s19+$0x0], $0xffff;
	v34 =	vor.u32 s9, v58;
	v20 =	vadd.f32 v20, v26;
	v18 =	vadd.f32 v31, v18  }
0x129: {  	v4 =	vld [tilespmem:s28+$0x0];
	v15 =	vadd.f32 v29, v17;
	v21 =	vsel vm0, v7, v8;
	v7 =	vunpack.i.u.bf16.f32 v10  }
0x12a: {  	v19 =	vld [tilespmem:s28+$0xFFFFFF80];
	v8 =	vunpack.i.l.bf16.f32 v10;
	v10 =	vunpack.i.u.bf16.f32 v12;
	v12 =	vunpack.i.l.bf16.f32 v12  }
0x12b: {  	v3 =	vld [tilespmem:s28+$0xFFFFFFE0];
	v24 =	vadd.f32 v33, v24;
	v33 =	vor.u32 s26, v52;
	v40 =	vsel vm0, v10, v12  }
0x12c: {  	v11 =	vld [tilespmem:s28+$0xFFFFFFA0];
	v16 =	vadd.f32 v44, v16;
	v44 =	vunpack.i.u.bf16.f32 v25;
	v25 =	vunpack.i.l.bf16.f32 v25  }
0x12d: {  	v9 =	vld [tilespmem:s28+$0x10];
	v37 =	vsel vm0, v8, v7;
	v13 =	vadd.f32 v40, v13;
	v25 =	vsel vm0, v25, v44  }
0x12e: {  	v43 =	vld.idx.msk [tilespmem:v23+s24+$0x0], $0xffff;
	v16 =	vadd.f32 v25, v16;
	v25 =	vadd.f32 v36, v27;
	v27 =	vor.u32 s9, v59  }
0x12f: {  	v23 =	vld.idx.msk [tilespmem:v23+s22+$0x0], $0xffff;
	v20 =	vadd.f32 v37, v20;
	v36 =	vunpack.i.u.bf16.f32 v30;
	v30 =	vunpack.i.l.bf16.f32 v30  }
0x130: {  	v37 =	vld.idx.msk [tilespmem:v42+s19+$0x0], $0xffff;
	v30 =	vsel vm0, v36, v30;
	v36 =	vor.u32 s26, v49;
	v16 =	vmax.f32 v16, $0.0e+00  }
0x131: {  	v40 =	vld.idx.msk [tilespmem:v38+s22+$0x0], $0xffff;
	v16 =	vmul.f32 v16, v19;
	v19 =	vadd.f32 v30, v25;
	v25 =	vadd.f32 v39, v32  }
0x132: {  	v30 =	vld.idx.msk [tilespmem:v34+s19+$0x0], $0xffff;
	v32 =	vunpack.i.u.bf16.f32 v35;
	v39 =	vunpack.i.l.bf16.f32 v35;
	v34 =	vor.u32 s26, v51  }
0x133: {  	v18 =	vadd.f32 v21, v18;
	v32 =	vsel vm0, v39, v32;
	v19 =	vmax.f32 v19, $0.0e+00;
	v27 =	vld.idx.msk [tilespmem:v27+s19+$0x0], $0xffff  }
0x134: {  	v35 =	vor.u32 s9, v60;
	v14 =	vmul.f32 v19, v14;
	v19 =	vadd.f32 v32, v25;
	v25 =	vld [tilespmem:s28+$0xFFFFFFC0]  }
0x135: {  	v8 =	vor.u32 s26, v56;
	v7 =	vor.u32 s9, v2;
	v39 =	vor.u32 s9, v61;
	v26 =	vld.idx.msk [tilespmem:v36+s22+$0x0], $0xffff  }
0x136: {  	v10 =	vor.u32 s9, v1;
	v12 =	vor.u32 s26, v55;
	v16 =	vadd.f32 v16, v28;
	v28 =	vld.idx.msk [tilespmem:v36+s24+$0x0], $0xffff  }
0x137: {  	v23 =	vadd.f32 v43, v23;
	v44 =	vor.u32 s9, v62;
	v20 =	vmax.f32 v20, $0.0e+00;
	v17 =	vld.idx.msk [tilespmem:v34+s22+$0x0], $0xffff  }
0x138: {  	v13 =	vmax.f32 v13, $0.0e+00;
	v19 =	vmax.f32 v19, $0.0e+00;
	v21 =	vunpack.i.l.bf16.f32 v30;
	v36 =	vld.idx.msk [tilespmem:v34+s24+$0x0], $0xffff  }
0x139: {  	v14 =	vadd.f32 v14, v16;
	v11 =	vmul.f32 v19, v11;
	v19 =	vadd.f32 v22, v24;
	v22 =	vld.idx.msk [tilespmem:v35+s19+$0x0], $0xffff  }
0x13a: {  	v35 =	vunpack.i.u.bf16.f32 v30;
	v39 =	vld.idx.msk [tilespmem:v39+s19+$0x0], $0xffff;
	v16 =	vunpack.i.u.bf16.f32 v27;
	v27 =	vunpack.i.l.bf16.f32 v27  }
0x13b: {  	v43 =	vld.idx.msk [tilespmem:v33+s22+$0x0], $0xffff;
	v21 =	vsel vm0, v21, v35;
	v19 =	vmax.f32 v19, $0.0e+00;
	v16 =	vsel vm0, v27, v16  }
0x13c: {  	v35 =	vld.idx.msk [tilespmem:v44+s19+$0x0], $0xffff;
	v14 =	vadd.f32 v11, v14;
	v21 =	vadd.f32 v21, v23;
	v20 =	vmul.f32 v20, v25  }
0x13d: {  	v34 =	vld.idx.msk [tilespmem:v33+s24+$0x0], $0xffff;
	v6 =	vmul.f32 v19, v6;
	v19 =	vadd.f32 v28, v26;
	v15 =	vadd.f32 v16, v15  }
0x13e: {  	v44 =	vld.idx.msk [tilespmem:v12+s22+$0x0], $0xffff;
	v17 =	vadd.f32 v36, v17;
	v11 =	vunpack.i.u.bf16.f32 v22;
	v22 =	vunpack.i.l.bf16.f32 v22  }
0x13f: {  	v16 =	vld.idx.msk [tilespmem:v41+s22+$0x0], $0xffff;
	v23 =	vunpack.i.u.bf16.f32 v39;
	v36 =	vunpack.i.l.bf16.f32 v39;
	v11 =	vsel vm0, v11, v22  }
0x140: {  	v15 =	vmax.f32 v15, $0.0e+00;
	v6 =	vadd.f32 v6, v14;
	v11 =	vadd.f32 v11, v19;
	v19 =	vld.idx.msk [tilespmem:v41+s24+$0x0], $0xffff  }
0x141: {  	v22 =	vor.u32 s9, v0;
	v23 =	vsel vm0, v36, v23;
	v42 =	vunpack.i.u.bf16.f32 v35;
	v41 =	vld [tilespmem:s28+$0xFFFFFFD0]  }
0x142: {  	v17 =	vadd.f32 v23, v17;
	v39 =	vmax.f32 v11, $0.0e+00;
	v11 =	vmul.f32 v15, v4;
	v4 =	vld [tilespmem:s28+$0x20]  }
0x143: {  	v23 =	vunpack.i.l.bf16.f32 v35;
	v6 =	vadd.f32 v20, v6;
	v20 =	vld.idx.msk [tilespmem:v10+s19+$0x0], $0xffff;
	v15 =	vadd.f32 v34, v43  }
0x144: {  	v18 =	vmax.f32 v18, $0.0e+00;
	v13 =	vmul.f32 v13, v5;
	v5 =	vsel vm0, v42, v23;
	v23 =	vld [tilespmem:s28+$0x30]  }
0x145: {  	v21 =	vmax.f32 v21, $0.0e+00;
	v43 =	vld.idx.msk [tilespmem:v38+s24+$0x0], $0xffff;
	v17 =	vmax.f32 v17, $0.0e+00;
	v5 =	vadd.f32 v5, v15  }
0x146: {  	v15 =	vunpack.i.u.bf16.f32 v37;
	v22 =	vld.idx.msk [tilespmem:v22+s19+$0x0], $0xffff;
	v16 =	vadd.f32 v19, v16;
	v19 =	vunpack.i.l.bf16.f32 v37  }
0x147: {  	v14 =	vmul.f32 v18, v41;
	v18 =	vld [tilespmem:s28+$0x40];
	v19 =	vsel vm0, v19, v15;
	v15 =	vmul.f32 v17, v4  }
0x148: {  	v4 =	vld.idx.msk [tilespmem:v12+s24+$0x0], $0xffff;
	v17 =	vmul.f32 v21, v3;
	v3 =	vmax.f32 v5, $0.0e+00;
	v5 =	vadd.f32 v19, v16  }
0x149: {  	p0 =	sne.s32 s25, $0x38;
	v6 =	vadd.f32 v14, v6;
	v14 =	vld.idx.msk [tilespmem:v8+s24+$0x0], $0xffff  }
.Ltmp1:
0x14a: {  	v16 =	vadd.f32 v43, v40;
	v12 =	vmul.f32 v3, v23;
	v3 =	vld.idx.msk [tilespmem:v8+s22+$0x0], $0xffff;
	v10 =	vmax.f32 v5, $0.0e+00;
	(pc) =	sbr.rel @p0 .LBB2_6-.Ltmp1, $4  }
0x14b: {  	v5 =	vunpack.i.u.bf16.f32 v22;
	v19 =	vunpack.i.l.bf16.f32 v22;
	v6 =	vadd.f32 v17, v6;
	v17 =	vld [tilespmem:s28+$0x50]  }
0x14c: {  	v9 =	vmul.f32 v39, v9;
	v19 =	vsel vm0, v5, v19;
	v5 =	vld.idx.msk [tilespmem:v7+s19+$0x0], $0xffff  }
0x14d: {  	v8 =	vmul.f32 v10, v18;
	v7 =	vld [tilespmem:s28+$0x70];
	v16 =	vadd.f32 v19, v16;
	v19 =	vadd.f32 v13, v6  }
0x14e: {  	s25 =	sadd.s32 $0x8, s25;
	s26 =	sadd.s32 $0x10, s26;
	v10 =	vld [tilespmem:s28+$0x60];
	s28 =	sadd.s32 $0x100, s28;
	v6 =	vunpack.i.u.bf16.f32 v20;
	v20 =	vunpack.i.l.bf16.f32 v20;
	v18 =	vadd.f32 v4, v44  }
0x14f: {  	v0 =	vadd.f32 v11, v19;
	_ =	sdelay $0x1  }
0x150: {  	v0 =	vadd.f32 v9, v0;
	_ =	sdelay $0x1  }
0x151: {  	v0 =	vadd.f32 v15, v0  }
0x152: {  	v1 =	vsel vm0, v20, v6  }
0x153: {  	v2 =	vadd.f32 v14, v3;
	v60 =	vmax.f32 v16, $0.0e+00;
	v0 =	vadd.f32 v12, v0  }
0x154: {  	v1 =	vadd.f32 v1, v18;
	v59 =	vunpack.i.u.bf16.f32 v5;
	v4 =	vunpack.i.l.bf16.f32 v5  }
0x155: {  	v61 =	vmul.f32 v60, v17;
	v3 =	vsel vm0, v59, v4;
	v0 =	vadd.f32 v8, v0  }
0x156: {  	v1 =	vmax.f32 v1, $0.0e+00;
	v2 =	vadd.f32 v3, v2  }
0x157: {  	v1 =	vmul.f32 v1, v10;
	v0 =	vadd.f32 v61, v0  }
0x158: {  	v2 =	vmax.f32 v2, $0.0e+00  }
0x159: {  	v62 =	vmul.f32 v2, v7;
	v0 =	vadd.f32 v1, v0;
	_ =	sdelay $0x1  }
0x15a: {  	v0 =	vadd.f32 v62, v0;
	_ =	sdelay $0x1  }
0x15b: {  	v1 =	vsub.f32 $0.0e+00, v0;
	_ =	sdelay $0x1  }
0x15c: {  	v1 =	vmul.f32 $1.442695020e+00, v1;
	_ =	sdelay $0x1  }
0x15d: {  	(erf) = vpow2.f32 v1;
	_ =	sdelay $0x8  }
0x15e: {  	v1 =	vpop (erf)  }
0x15f: {  	v1 =	vadd.f32 $1.000000000e+00, v1;
	_ =	sdelay $0x1  }
0x160: {  	(erf) = vrcp.f32 v1;
	_ =	sdelay $0x3  }
0x161: {  	s18 =	sadd.s32 $0x1, s18  }
0x162: {  	p0 =	sne.s32 s18, $0x8  }
.Ltmp2:
0x163: {  	_ = 	snop;
	(pc) =	sbr.rel @p0 .LBB2_5-.Ltmp2, $3  }
0x164: {  	_ =	sdelay $0x1  }
0x165: {  	[tilespmem:s23+$0x1D100] =	vst v0;
	v63 =	vpop (erf)  }
0x166: {  	v18 =	vlaneseq.u32;
	[tilespmem:s23+$0x1D200] =	vst v63  }
0x167: {  	s2 =	sshll.u32 s2, $0x7  }
0x168: {  	s2 =	sadd.s32 s5, s2  }
0x169: {  	s0 =	sadd.s32 $0x3, s0;
	p0 =	sne.s32 s1, $0x50;
	s2 =	sshrl.u32 s2, $0x3  }
.Ltmp3:
0x16a: {  	s18 =	sor.u32 $0x1D100, s3;
	s9 =	sadd.s32 s10, s2;
	(pc) =	sbr.rel @p0 .LBB2_4-.Ltmp3, $4  }
0x16b: {  	[hbm4b:s9+s4] =	stream.linear.scatter [tilespmem:s18], [sflag:s0], $0x80, $0x38;
	[tilespmem:$0x1DC00] =	vst v63  }
0x16c: {  	s28 =	sor.u32 $0x1D200, s3;
	s2 =	sadd.s32 s11, s2  }
0x16d: {  	[hbm4b:s2+s4] =	stream.linear.scatter [tilespmem:s28], [sflag:s0], $0x80, $0x38;
	[tilespmem:$0x1DC00] =	vst v63  }
0x16e: {  	s2 =	smov.u32 s1  }
0x16f: {  	_ =	swait.ge [sflag:s29], $0x80  }
0x170: {  	[sflag:s29] =	ssyncset.done $0x0  }
0x171: {  	[sflag:s29] =	ssyncadd.s32 $0xFFFFFF80  }
0x172: {  	_ =	swait.ge [sflag:s29], $0x80  }
0x173: {  	[sflag:s29] =	ssyncset.done $0x0  }
0x174: {  	s31 =	sadd.s32 $0x1, s31;
	[sflag:s29] =	ssyncadd.s32 $0xFFFFFF80  }
0x175: {  	p0 =	sne.s32 s31, s15;
	_ =	swait.ge [sflag:s30], $0x80  }
.Ltmp4:
0x176: {  	[sflag:s30] =	ssyncset.done $0x0;
	(pc) =	sbr.rel @p0 .LBB2_1-.Ltmp4, $4  }
0x177: {  	[sflag:s30] =	ssyncadd.s32 $0xFFFFFF80  }
0x178: {  	_ =	swait.ge [sflag:s30], $0x80  }
0x179: {  	[sflag:s30] =	ssyncset.done $0x0  }
0x17a: {  	[sflag:s30] =	ssyncadd.s32 $0xFFFFFF80  }
0x17b: {  	_ =	sfence.sel $0x180000  }
0x17c: {  	[bflag:$0x0] =	sbarrier.arrive $0xFFFF  }
0x17d: {  	_ =	strace $0x90000047  }
0x17e: {  	s0 =	stileid.u32;
	[bflag:$0x2] =	sbarrier.arrive $0xFFFF  }
0x17f: {  	p0 =	sne.s32 s0, $0x0;
	s0 =	rddreg [dreg:$0x3]  }
0x180: {  	s0 =	sadd.s32 @!p0 $0x100000, s0  }
0x181: {  	[sflag:s0] =	ssyncadd.tile.s32 @!p0 $0x1;
	_ =	shalt  }
.Lfunc_end2:
_tile_overlayer_lowered:
.L_overlay_start_2:
0x182: {  	(tag) =	ssettag $0x2  }
0x183: {  	s0 =	rddreg [dreg:$0x0];
	s2 =	stileid.u32  }
0x184: {  	s1 =	rddreg [dreg:$0x1];
	p0 =	sne.s32 s2, $0x0  }
0x185: {  	s3 =	rddreg [dreg:$0x2];
	[bflag:$0x3] =	sbarrier.arrive $0xFFFF;
	s2 =	simm.s32 @!p0 $0x1C05  }
0x186: {  	[timem:s3], [sflag:s2] =	dma.local @!p0 [hbm:s0], s1  }
0x187: {  	s0 =	simm.s32 @!p0 $0x5  }
0x188: {  	_ =	swait.ge @!p0 [sflag:s0], s1  }
0x189: {  	s1 =	ssub.s32 @!p0 $0x0, s1;
	[sflag:s0] =	ssyncset.done @!p0 $0x0  }
0x18a: {  	[sflag:s0] =	ssyncadd.s32 @!p0 s1  }
0x18b: {  	[bflag:$0x3] =	sbarrier.arrive $0xFFFF  }
0x18c: {  	_ =	shalt  }

</sc_bundles>
